<compile_context>
chip_gen: v7x
topology: tpu7x:2x2x1
jax: 0.10.2.dev20260603
libtpu: 0.0.44.dev20260713+nightly
codegen_flags: <defaults>
</compile_context>

<pallas_src>
import functools

import jax
import jax.numpy as jnp
from jax import lax
from jax.experimental import pallas as pl
from jax.experimental.pallas import tpu as pltpu
from jax.experimental.pallas import tpu_sc as plsc

K = 8
NEG = float("-inf")


def _extract_topk(scores, ncol, vars_):
    s_list, c_list, v_list = [], [], []
    work = scores
    for _ in range(K):
        m = jnp.max(work, axis=1, keepdims=True)
        hit = work == m
        nc = jnp.max(jnp.where(hit, ncol, NEG), axis=1, keepdims=True)
        sel = ncol == nc
        v = jnp.max(jnp.where(sel, vars_, NEG), axis=1, keepdims=True)
        work = jnp.where(sel, NEG, work)
        s_list.append(m)
        c_list.append(nc)
        v_list.append(v)
    return (jnp.concatenate(s_list, axis=1),
            jnp.concatenate(c_list, axis=1),
            jnp.concatenate(v_list, axis=1))


def _sim_topk_body(q_ref, emb_ref, w1_ref, b1_ref, w2_ref, b2_ref, mask_ref,
                   s_out, c_out, v_out, *, chunk, nchunks):
    i = pl.program_id(0)
    b = q_ref.shape[0]
    mc = mask_ref.shape[0]

    q = q_ref[...]
    qn = q / jnp.maximum(jnp.sqrt(jnp.sum(q * q, axis=-1, keepdims=True)),
                         1e-8)
    emb = emb_ref[...]
    h = jnp.maximum(jnp.dot(emb, w1_ref[...]) + b1_ref[...], 0.0)
    sims = []
    for m_i in range(mc):
        noisy = jnp.dot(h * mask_ref[m_i], w2_ref[...]) + b2_ref[...]
        en = noisy / jnp.maximum(
            jnp.sqrt(jnp.sum(noisy * noisy, axis=-1, keepdims=True)), 1e-8)
        sims.append(lax.dot_general(qn, en, (((1,), (1,)), ((), ()))))
    ssum = (sims[0] + sims[1]) + (sims[2] + sims[3])
    ssq = (sims[0] * sims[0] + sims[1] * sims[1]) + (
        sims[2] * sims[2] + sims[3] * sims[3])
    mean = ssum / mc
    var = (ssq - mc * (mean * mean)) / (mc - 1)

    ncol = (-(lax.broadcasted_iota(jnp.int32, (b, chunk), 1)
              + i * chunk)).astype(jnp.float32)
    ch_s, ch_c, ch_v = _extract_topk(mean, ncol, var)

    s_out[0] = ch_s
    c_out[0] = ch_c
    v_out[0] = ch_v


def _sim_topk(query, emb, w1, b1, w2, b2, masks, *, chunk, interpret=False):
    b, h_dim = query.shape
    cap = emb.shape[0]
    mc = masks.shape[0]
    assert cap % chunk == 0
    nchunks = cap // chunk
    body = functools.partial(_sim_topk_body, chunk=chunk, nchunks=nchunks)
    return pl.pallas_call(
        body,
        grid=(nchunks,),
        in_specs=[
            pl.BlockSpec((b, h_dim), lambda i: (0, 0)),
            pl.BlockSpec((chunk, h_dim), lambda i: (i, 0)),
            pl.BlockSpec((h_dim, h_dim), lambda i: (0, 0)),
            pl.BlockSpec((1, h_dim), lambda i: (0, 0)),
            pl.BlockSpec((h_dim, h_dim), lambda i: (0, 0)),
            pl.BlockSpec((1, h_dim), lambda i: (0, 0)),
            pl.BlockSpec((mc, chunk, h_dim), lambda i: (0, i, 0)),
        ],
        out_specs=[
            pl.BlockSpec((1, b, K), lambda i: (i, 0, 0)),
            pl.BlockSpec((1, b, K), lambda i: (i, 0, 0)),
            pl.BlockSpec((1, b, K), lambda i: (i, 0, 0)),
        ],
        out_shape=[
            jax.ShapeDtypeStruct((nchunks, b, K), jnp.float32),
            jax.ShapeDtypeStruct((nchunks, b, K), jnp.float32),
            jax.ShapeDtypeStruct((nchunks, b, K), jnp.float32),
        ],
        interpret=interpret,
    )(query, emb, w1, b1, w2, b2, masks)


def _final_topk_body(s_ref, c_ref, v_ref, s_out, i_out, v_out):
    f_s, f_c, f_v = _extract_topk(s_ref[...], c_ref[...], v_ref[...])
    s_out[...] = f_s
    i_out[...] = (-f_c).astype(jnp.int32)
    v_out[...] = f_v


def _final_topk(cand_s, cand_c, cand_v, *, interpret=False):
    b = cand_s.shape[0]
    return pl.pallas_call(
        _final_topk_body,
        out_shape=[
            jax.ShapeDtypeStruct((b, K), jnp.float32),
            jax.ShapeDtypeStruct((b, K), jnp.int32),
            jax.ShapeDtypeStruct((b, K), jnp.float32),
        ],
        interpret=interpret,
    )(cand_s, cand_c, cand_v)


def _sc_gather(table, idx):
    n = idx.shape[0]
    _, seq, h_dim = table.shape
    info = plsc.get_sparse_core_info()
    nw = info.num_cores * info.num_subcores
    bpw = n // nw
    ch = 32
    assert bpw % ch == 0
    nch = bpw // ch
    mesh = plsc.VectorSubcoreMesh(core_axis_name="c", subcore_axis_name="s")

    @functools.partial(
        pl.kernel,
        out_type=jax.ShapeDtypeStruct((n, seq, h_dim), jnp.float32),
        mesh=mesh,
        scratch_types=[
            pltpu.VMEM((ch,), jnp.int32),
            pltpu.VMEM((ch, seq, h_dim), jnp.float32),
            pltpu.SemaphoreType.DMA,
        ],
    )
    def gather_kernel(table_hbm, idx_hbm, out_hbm, idx_v, rows_v, sem):
        wid = lax.axis_index("s") * info.num_cores + lax.axis_index("c")
        base = wid * bpw

        def step(c, carry):
            off = base + c * ch
            pltpu.sync_copy(idx_hbm.at[pl.ds(off, ch)], idx_v)
            pltpu.async_copy(table_hbm.at[idx_v], rows_v, sem).wait()
            pltpu.sync_copy(rows_v, out_hbm.at[pl.ds(off, ch)])
            return carry

        lax.fori_loop(0, nch, step, 0)

    return gather_kernel(table, idx)


def kernel(query, k, episodes, episode_embeddings, W1, b1, W2, b2, drop_masks):
    del k
    cap, seq, h_dim = episodes.shape
    b = query.shape[0]
    cs, cc, cv = _sim_topk(
        query, episode_embeddings, W1, b1.reshape(1, -1), W2,
        b2.reshape(1, -1), drop_masks, chunk=1000)
    nck = cs.shape[0]
    cs = cs.transpose(1, 0, 2).reshape(b, nck * K)
    cc = cc.transpose(1, 0, 2).reshape(b, nck * K)
    cv = cv.transpose(1, 0, 2).reshape(b, nck * K)
    scores, idx, uncert = _final_topk(cs, cc, cv)
    rows = _sc_gather(episodes, idx.reshape(-1))
    retrieved = rows.reshape(idx.shape[0], K, seq, h_dim)
    return retrieved, scores, uncert

# --- scband reference (transcript-rebuilt; emitter-appended) ---
"""Pipeline reference for scband-episodic-memory-67997922230379 (READ-ONLY COPY).

The authoritative reference and input builder live on the scoring server;
editing this copy changes nothing except your own understanding.
"""

import jax, jax.numpy as jnp
import numpy as np

CAP = 50000
SEQ = 16
H = 128
B = 1024
MC = 4
P = 0.1


def setup_inputs(seed: int = 0) -> dict:
    key = jax.random.key(seed)
    ks = jax.random.split(key, 8)
    query = jax.random.normal(ks[0], (B, H), dtype=jnp.float32)
    episodes = jax.random.normal(ks[1], (CAP, SEQ, H), dtype=jnp.float32) * 0.02
    episode_embeddings = jax.random.normal(ks[2], (CAP, H), dtype=jnp.float32)
    W1 = jax.random.normal(ks[3], (H, H), dtype=jnp.float32) * (1.0 / np.sqrt(H))
    b1 = jnp.zeros((H,), dtype=jnp.float32)
    W2 = jax.random.normal(ks[4], (H, H), dtype=jnp.float32) * (1.0 / np.sqrt(H))
    b2 = jnp.zeros((H,), dtype=jnp.float32)
    # Pre-sampled MC-dropout masks (inverted dropout scaling), one per MC sample
    drop_masks = (jax.random.uniform(ks[5], (MC, CAP, H)) >= P).astype(jnp.float32) / (1.0 - P)
    return {
        "query": query,
        "k": 8,
        "episodes": episodes,
        "episode_embeddings": episode_embeddings,
        "W1": W1,
        "b1": b1,
        "W2": W2,
        "b2": b2,
        "drop_masks": drop_masks,
    }


def _summarize(emb, W1, b1, W2, b2, mask):
    h = jnp.maximum(emb @ W1 + b1, 0.0)
    h = h * mask  # MC dropout
    return h @ W2 + b2


def _cosine_sim(q, e, eps=1e-8):
    qn = q / jnp.maximum(jnp.linalg.norm(q, axis=-1, keepdims=True), eps)
    en = e / jnp.maximum(jnp.linalg.norm(e, axis=-1, keepdims=True), eps)
    return qn @ en.T


def reference(query, k, episodes, episode_embeddings, W1, b1, W2, b2, drop_masks):
    # MC-dropout similarity samples (retrieve_similar_with_uncertainty)
    sims = []
    for i in range(MC):
        noisy_emb = _summarize(episode_embeddings, W1, b1, W2, b2, drop_masks[i])
        sims.append(_cosine_sim(query, noisy_emb))
    all_sim = jnp.stack(sims, axis=0)            # [MC, B, CAP]
    mean_sim = all_sim.mean(axis=0)              # [B, CAP]
    sim_var = all_sim.var(axis=0, ddof=1)        # torch unbiased var
    K = 8
    top_scores, top_idx = jax.lax.top_k(mean_sim, K)           # [B, k]
    top_scores = top_scores + (jnp.asarray(k, dtype=top_scores.dtype) * 0)
    uncertainties = jnp.take_along_axis(sim_var, top_idx, axis=1)
    # is_compressed starts all-False, so fetch full episodes (memory gather)
    retrieved = episodes[top_idx]                # [B, k, SEQ, H]
    return retrieved, top_scores, uncertainties

if __name__ == "__main__":
    import jax
    _d = setup_inputs()
    print(jax.jit(kernel)(*tuple(_d.values())))

</pallas_src>

<mosaic_0001>
#map = affine_map<(d0, d1) -> (0, 0, 0)>
#map1 = affine_map<(d0, d1) -> (0)>
module attributes {stable_mosaic.version = 14 : i64} {
  func.func @gather_kernel(%arg0: i32, %arg1: i32, %arg2: memref<50000x16x128xf32, #tpu.memory_space<hbm>>, %arg3: memref<8192xi32, #tpu.memory_space<hbm>>, %arg4: memref<8192x16x128xf32, #tpu.memory_space<hbm>>, %arg5: memref<32xi32, #tpu.memory_space<vmem>>, %arg6: memref<32x16x128xf32, #tpu.memory_space<vmem>>, %arg7: memref<!tpu.dma_semaphore, #tpu.memory_space<semaphore_mem>>) attributes {dimension_semantics = [#tpu.dimension_semantics<core_parallel>, #tpu.dimension_semantics<subcore_parallel>], iteration_bounds = array<i64: 2, 16>, scalar_prefetch = 0 : i64, scratch_operands = 3 : i64, tpu.core_type = #tpu.core_type<sc_vector_subcore>, window_params = [{transform_indices = #map}, {transform_indices = #map1}, {transform_indices = #map}]} {
    %mul3A = arith.constant 2 : i32
    %mul3A_0 = arith.muli %arg1, %mul3A : i32
    %add3A = arith.addi %mul3A_0, %arg0 : i32
    %mul3A_1 = arith.constant 256 : i32
    %mul3A_2 = arith.muli %add3A, %mul3A_1 : i32
    %scan3A = arith.constant 0 : i32
    %scan3A_3 = arith.constant 0 : i32
    %scan3A_4 = arith.constant 8 : i32
    %scan3A_5 = arith.addi %scan3A_3, %scan3A_4 : i32
    %scan3A_6 = arith.constant 1 : i32
    scf.for %scan3A_8 = %scan3A_3 to %scan3A_5 step %scan3A_6  : i32 {
      %mul3A_9 = arith.constant 32 : i32
      %mul3A_10 = arith.muli %scan3A_8, %mul3A_9 : i32
      %add3A_11 = arith.addi %mul3A_2, %mul3A_10 : i32
      "tpu.region"() ({
        %run_scoped3A = tpu.sem_alloc : memref<!tpu.dma_semaphore, #tpu.memory_space<semaphore_mem>>
        %dma_start3A_18 = tpu.memref_slice %arg3[%add3A_11] : memref<8192xi32, #tpu.memory_space<hbm>> -> memref<32xi32, #tpu.memory_space<hbm>>
        %dma_start3A_19 = tpu.memref_slice %arg3[%add3A_11] : memref<8192xi32, #tpu.memory_space<hbm>> -> memref<32xi32, #tpu.memory_space<hbm>>
        tpu.enqueue_dma source(%dma_start3A_19 : memref<32xi32, #tpu.memory_space<hbm>>) target(%arg5 : memref<32xi32, #tpu.memory_space<vmem>>) target_semaphore(%run_scoped3A : memref<!tpu.dma_semaphore, #tpu.memory_space<semaphore_mem>>)
        %dma_wait3A_20 = tpu.memref_slice %arg3[%add3A_11] : memref<8192xi32, #tpu.memory_space<hbm>> -> memref<32xi32, #tpu.memory_space<hbm>>
        %dma_wait3A_21 = tpu.memref_slice %arg3[%add3A_11] : memref<8192xi32, #tpu.memory_space<hbm>> -> memref<32xi32, #tpu.memory_space<hbm>>
        tpu.wait_dma2 semaphore(%run_scoped3A : memref<!tpu.dma_semaphore, #tpu.memory_space<semaphore_mem>>) src(%dma_wait3A_21 : memref<32xi32, #tpu.memory_space<hbm>>) dst(%arg5 : memref<32xi32, #tpu.memory_space<vmem>>)
        tpu.yield
      }) : () -> ()
      %dma_start3A = arith.constant 0 : i32
      %dma_start3A_12 = arith.constant 0 : i32
      %dma_start3A_13 = arith.constant 0 : i32
      %dma_start3A_14 = tpu.memref_slice %arg2[%dma_start3A, %dma_start3A_12, %dma_start3A_13] : memref<50000x16x128xf32, #tpu.memory_space<hbm>> -> memref<50000x16x128xf32, #tpu.memory_space<hbm>>
      tpu.enqueue_indirect_dma source(%dma_start3A_14 : memref<50000x16x128xf32, #tpu.memory_space<hbm>>) target(%arg6 : memref<32x16x128xf32, #tpu.memory_space<vmem>>) offsets(%arg5 : memref<32xi32, #tpu.memory_space<vmem>>) semaphore(%arg7 : memref<!tpu.dma_semaphore, #tpu.memory_space<semaphore_mem>>)
      %dma_wait3A = arith.constant 0 : i32
      %dma_wait3A_15 = arith.constant 0 : i32
      %dma_wait3A_16 = arith.constant 0 : i32
      %dma_wait3A_17 = tpu.memref_slice %arg2[%dma_wait3A, %dma_wait3A_15, %dma_wait3A_16] : memref<50000x16x128xf32, #tpu.memory_space<hbm>> -> memref<50000x16x128xf32, #tpu.memory_space<hbm>>
      tpu.wait_indirect_dma semaphore(%arg7 : memref<!tpu.dma_semaphore, #tpu.memory_space<semaphore_mem>>) src(%dma_wait3A_17 : memref<50000x16x128xf32, #tpu.memory_space<hbm>>) dst(%arg6 : memref<32x16x128xf32, #tpu.memory_space<vmem>>)
      "tpu.region"() ({
        %run_scoped3A = tpu.sem_alloc : memref<!tpu.dma_semaphore, #tpu.memory_space<semaphore_mem>>
        %dma_start3A_18 = arith.constant 0 : i32
        %dma_start3A_19 = arith.constant 0 : i32
        %dma_start3A_20 = tpu.memref_slice %arg4[%add3A_11, %dma_start3A_18, %dma_start3A_19] : memref<8192x16x128xf32, #tpu.memory_space<hbm>> -> memref<32x16x128xf32, #tpu.memory_space<hbm>>
        %dma_start3A_21 = arith.constant 0 : i32
        %dma_start3A_22 = arith.constant 0 : i32
        %dma_start3A_23 = tpu.memref_slice %arg4[%add3A_11, %dma_start3A_21, %dma_start3A_22] : memref<8192x16x128xf32, #tpu.memory_space<hbm>> -> memref<32x16x128xf32, #tpu.memory_space<hbm>>
        tpu.enqueue_dma source(%arg6 : memref<32x16x128xf32, #tpu.memory_space<vmem>>) target(%dma_start3A_23 : memref<32x16x128xf32, #tpu.memory_space<hbm>>) target_semaphore(%run_scoped3A : memref<!tpu.dma_semaphore, #tpu.memory_space<semaphore_mem>>)
        %dma_wait3A_24 = arith.constant 0 : i32
        %dma_wait3A_25 = arith.constant 0 : i32
        %dma_wait3A_26 = tpu.memref_slice %arg4[%add3A_11, %dma_wait3A_24, %dma_wait3A_25] : memref<8192x16x128xf32, #tpu.memory_space<hbm>> -> memref<32x16x128xf32, #tpu.memory_space<hbm>>
        %dma_wait3A_27 = arith.constant 0 : i32
        %dma_wait3A_28 = arith.constant 0 : i32
        %dma_wait3A_29 = tpu.memref_slice %arg4[%add3A_11, %dma_wait3A_27, %dma_wait3A_28] : memref<8192x16x128xf32, #tpu.memory_space<hbm>> -> memref<32x16x128xf32, #tpu.memory_space<hbm>>
        tpu.wait_dma2 semaphore(%run_scoped3A : memref<!tpu.dma_semaphore, #tpu.memory_space<semaphore_mem>>) src(%arg6 : memref<32x16x128xf32, #tpu.memory_space<vmem>>) dst(%dma_wait3A_29 : memref<32x16x128xf32, #tpu.memory_space<hbm>>)
        tpu.yield
      }) : () -> ()
    }
    %scan3A_7 = arith.constant 8 : i32
    return
  }
}

module attributes {stable_mosaic.version = 14 : i64} {
  func.func @_sim_topk_body(%arg0: i32, %arg1: memref<1024x128xf32, #tpu.memory_space<vmem>>, %arg2: memref<1000x128xf32, #tpu.memory_space<vmem>>, %arg3: memref<128x128xf32, #tpu.memory_space<vmem>>, %arg4: memref<1x128xf32, #tpu.memory_space<vmem>>, %arg5: memref<128x128xf32, #tpu.memory_space<vmem>>, %arg6: memref<1x128xf32, #tpu.memory_space<vmem>>, %arg7: memref<4x1000x128xf32, #tpu.memory_space<vmem>>, %arg8: memref<1x1024x8xf32, #tpu.memory_space<vmem>>, %arg9: memref<1x1024x8xf32, #tpu.memory_space<vmem>>, %arg10: memref<1x1024x8xf32, #tpu.memory_space<vmem>>) attributes {dimension_semantics = [#tpu.dimension_semantics<arbitrary>], iteration_bounds = array<i64: 50>, scalar_prefetch = 0 : i64, scratch_operands = 0 : i64, tpu.core_type = #tpu.core_type<tc>, window_params = [{pipeline_mode = #tpu.pipeline_mode<synchronous>, transform_indices = @transform_0, window_bounds = array<i64: 1024, 128>}, {transform_indices = @transform_1, window_bounds = array<i64: 1000, 128>}, {pipeline_mode = #tpu.pipeline_mode<synchronous>, transform_indices = @transform_2, window_bounds = array<i64: 128, 128>}, {pipeline_mode = #tpu.pipeline_mode<synchronous>, transform_indices = @transform_3, window_bounds = array<i64: 1, 128>}, {pipeline_mode = #tpu.pipeline_mode<synchronous>, transform_indices = @transform_4, window_bounds = array<i64: 128, 128>}, {pipeline_mode = #tpu.pipeline_mode<synchronous>, transform_indices = @transform_5, window_bounds = array<i64: 1, 128>}, {transform_indices = @transform_6, window_bounds = array<i64: 4, 1000, 128>}, {transform_indices = @transform_7, window_bounds = array<i64: 1, 1024, 8>}, {transform_indices = @transform_8, window_bounds = array<i64: 1, 1024, 8>}, {transform_indices = @transform_9, window_bounds = array<i64: 1, 1024, 8>}]} {
    %get3A = arith.constant 0 : index
    %get3A_0 = arith.constant 0 : index
    %get3A_1 = vector.load %arg1[%get3A, %get3A_0] : memref<1024x128xf32, #tpu.memory_space<vmem>>, vector<1024x128xf32>
    %mul3A = arith.mulf %get3A_1, %get3A_1 : vector<1024x128xf32>
    %reduce_sum3A = arith.constant dense<0.000000e+00> : vector<1024xf32>
    %reduce_sum3A_2 = vector.multi_reduction <add>, %mul3A, %reduce_sum3A [1] : vector<1024x128xf32> to vector<1024xf32>
    %broadcast_in_dim3A = vector.shape_cast %reduce_sum3A_2 : vector<1024xf32> to vector<1024x1xf32>
    %sqrt3A = math.sqrt %broadcast_in_dim3A : vector<1024x1xf32>
    %max3A = arith.constant 9.99999993E-9 : f32
    %max3A_3 = vector.broadcast %max3A : f32 to vector<1024x1xf32>
    %max3A_4 = arith.maximumf %sqrt3A, %max3A_3 : vector<1024x1xf32>
    %div3A = vector.broadcast %max3A_4 : vector<1024x1xf32> to vector<1024x128xf32>
    %div3A_5 = arith.divf %get3A_1, %div3A : vector<1024x128xf32>
    %get3A_6 = arith.constant 0 : index
    %get3A_7 = arith.constant 0 : index
    %get3A_8 = vector.load %arg2[%get3A_6, %get3A_7] : memref<1000x128xf32, #tpu.memory_space<vmem>>, vector<1000x128xf32>
    %get3A_9 = arith.constant 0 : index
    %get3A_10 = arith.constant 0 : index
    %get3A_11 = vector.load %arg3[%get3A_9, %get3A_10] : memref<128x128xf32, #tpu.memory_space<vmem>>, vector<128x128xf32>
    %dot_general3A = arith.constant dense<0.000000e+00> : vector<1000x128xf32>
    %dot_general3A_12 = tpu.matmul %get3A_8, %get3A_11, %dot_general3A {dimension_numbers = #tpu.dot_dimension_numbers<[1], [0], [0], [1], [0, 0, 1, 1], [], []>, transpose_lhs_hint = false} : vector<1000x128xf32>, vector<128x128xf32>, vector<1000x128xf32> -> vector<1000x128xf32>
    %get3A_13 = arith.constant 0 : index
    %get3A_14 = arith.constant 0 : index
    %get3A_15 = vector.load %arg4[%get3A_13, %get3A_14] : memref<1x128xf32, #tpu.memory_space<vmem>>, vector<1x128xf32>
    %add3A = vector.broadcast %get3A_15 : vector<1x128xf32> to vector<1000x128xf32>
    %add3A_16 = arith.addf %dot_general3A_12, %add3A : vector<1000x128xf32>
    %max3A_17 = arith.constant 0.000000e+00 : f32
    %max3A_18 = vector.broadcast %max3A_17 : f32 to vector<1000x128xf32>
    %max3A_19 = arith.maximumf %add3A_16, %max3A_18 : vector<1000x128xf32>
    %get3A_20 = arith.constant 0 : index
    %get3A_21 = arith.constant 0 : index
    %get3A_22 = arith.constant 0 : index
    %get3A_23 = vector.load %arg7[%get3A_20, %get3A_21, %get3A_22] : memref<4x1000x128xf32, #tpu.memory_space<vmem>>, vector<1x1000x128xf32>
    %get3A_24 = vector.shape_cast %get3A_23 : vector<1x1000x128xf32> to vector<1000x128xf32>
    %mul3A_25 = arith.mulf %max3A_19, %get3A_24 : vector<1000x128xf32>
    %get3A_26 = arith.constant 0 : index
    %get3A_27 = arith.constant 0 : index
    %get3A_28 = vector.load %arg5[%get3A_26, %get3A_27] : memref<128x128xf32, #tpu.memory_space<vmem>>, vector<128x128xf32>
    %dot_general3A_29 = arith.constant dense<0.000000e+00> : vector<1000x128xf32>
    %dot_general3A_30 = tpu.matmul %mul3A_25, %get3A_28, %dot_general3A_29 {dimension_numbers = #tpu.dot_dimension_numbers<[1], [0], [0], [1], [0, 0, 1, 1], [], []>, transpose_lhs_hint = false} : vector<1000x128xf32>, vector<128x128xf32>, vector<1000x128xf32> -> vector<1000x128xf32>
    %get3A_31 = arith.constant 0 : index
    %get3A_32 = arith.constant 0 : index
    %get3A_33 = vector.load %arg6[%get3A_31, %get3A_32] : memref<1x128xf32, #tpu.memory_space<vmem>>, vector<1x128xf32>
    %add3A_34 = vector.broadcast %get3A_33 : vector<1x128xf32> to vector<1000x128xf32>
    %add3A_35 = arith.addf %dot_general3A_30, %add3A_34 : vector<1000x128xf32>
    %mul3A_36 = arith.mulf %add3A_35, %add3A_35 : vector<1000x128xf32>
    %reduce_sum3A_37 = arith.constant dense<0.000000e+00> : vector<1000xf32>
    %reduce_sum3A_38 = vector.multi_reduction <add>, %mul3A_36, %reduce_sum3A_37 [1] : vector<1000x128xf32> to vector<1000xf32>
    %broadcast_in_dim3A_39 = vector.shape_cast %reduce_sum3A_38 : vector<1000xf32> to vector<1000x1xf32>
    %sqrt3A_40 = math.sqrt %broadcast_in_dim3A_39 : vector<1000x1xf32>
    %max3A_41 = arith.constant 9.99999993E-9 : f32
    %max3A_42 = vector.broadcast %max3A_41 : f32 to vector<1000x1xf32>
    %max3A_43 = arith.maximumf %sqrt3A_40, %max3A_42 : vector<1000x1xf32>
    %div3A_44 = vector.broadcast %max3A_43 : vector<1000x1xf32> to vector<1000x128xf32>
    %div3A_45 = arith.divf %add3A_35, %div3A_44 : vector<1000x128xf32>
    %dot_general3A_46 = arith.constant dense<0.000000e+00> : vector<1024x1000xf32>
    %dot_general3A_47 = tpu.matmul %div3A_5, %div3A_45, %dot_general3A_46 {dimension_numbers = #tpu.dot_dimension_numbers<[1], [1], [0], [0], [0, 0, 1, 0], [], []>, transpose_lhs_hint = false} : vector<1024x128xf32>, vector<1000x128xf32>, vector<1024x1000xf32> -> vector<1024x1000xf32>
    %get3A_48 = arith.constant 1 : index
    %get3A_49 = arith.constant 0 : index
    %get3A_50 = arith.constant 0 : index
    %get3A_51 = vector.load %arg7[%get3A_48, %get3A_49, %get3A_50] : memref<4x1000x128xf32, #tpu.memory_space<vmem>>, vector<1x1000x128xf32>
    %get3A_52 = vector.shape_cast %get3A_51 : vector<1x1000x128xf32> to vector<1000x128xf32>
    %mul3A_53 = arith.mulf %max3A_19, %get3A_52 : vector<1000x128xf32>
    %get3A_54 = arith.constant 0 : index
    %get3A_55 = arith.constant 0 : index
    %get3A_56 = vector.load %arg5[%get3A_54, %get3A_55] : memref<128x128xf32, #tpu.memory_space<vmem>>, vector<128x128xf32>
    %dot_general3A_57 = arith.constant dense<0.000000e+00> : vector<1000x128xf32>
    %dot_general3A_58 = tpu.matmul %mul3A_53, %get3A_56, %dot_general3A_57 {dimension_numbers = #tpu.dot_dimension_numbers<[1], [0], [0], [1], [0, 0, 1, 1], [], []>, transpose_lhs_hint = false} : vector<1000x128xf32>, vector<128x128xf32>, vector<1000x128xf32> -> vector<1000x128xf32>
    %get3A_59 = arith.constant 0 : index
    %get3A_60 = arith.constant 0 : index
    %get3A_61 = vector.load %arg6[%get3A_59, %get3A_60] : memref<1x128xf32, #tpu.memory_space<vmem>>, vector<1x128xf32>
    %add3A_62 = vector.broadcast %get3A_61 : vector<1x128xf32> to vector<1000x128xf32>
    %add3A_63 = arith.addf %dot_general3A_58, %add3A_62 : vector<1000x128xf32>
    %mul3A_64 = arith.mulf %add3A_63, %add3A_63 : vector<1000x128xf32>
    %reduce_sum3A_65 = arith.constant dense<0.000000e+00> : vector<1000xf32>
    %reduce_sum3A_66 = vector.multi_reduction <add>, %mul3A_64, %reduce_sum3A_65 [1] : vector<1000x128xf32> to vector<1000xf32>
    %broadcast_in_dim3A_67 = vector.shape_cast %reduce_sum3A_66 : vector<1000xf32> to vector<1000x1xf32>
    %sqrt3A_68 = math.sqrt %broadcast_in_dim3A_67 : vector<1000x1xf32>
    %max3A_69 = arith.constant 9.99999993E-9 : f32
    %max3A_70 = vector.broadcast %max3A_69 : f32 to vector<1000x1xf32>
    %max3A_71 = arith.maximumf %sqrt3A_68, %max3A_70 : vector<1000x1xf32>
    %div3A_72 = vector.broadcast %max3A_71 : vector<1000x1xf32> to vector<1000x128xf32>
    %div3A_73 = arith.divf %add3A_63, %div3A_72 : vector<1000x128xf32>
    %dot_general3A_74 = arith.constant dense<0.000000e+00> : vector<1024x1000xf32>
    %dot_general3A_75 = tpu.matmul %div3A_5, %div3A_73, %dot_general3A_74 {dimension_numbers = #tpu.dot_dimension_numbers<[1], [1], [0], [0], [0, 0, 1, 0], [], []>, transpose_lhs_hint = false} : vector<1024x128xf32>, vector<1000x128xf32>, vector<1024x1000xf32> -> vector<1024x1000xf32>
    %get3A_76 = arith.constant 2 : index
    %get3A_77 = arith.constant 0 : index
    %get3A_78 = arith.constant 0 : index
    %get3A_79 = vector.load %arg7[%get3A_76, %get3A_77, %get3A_78] : memref<4x1000x128xf32, #tpu.memory_space<vmem>>, vector<1x1000x128xf32>
    %get3A_80 = vector.shape_cast %get3A_79 : vector<1x1000x128xf32> to vector<1000x128xf32>
    %mul3A_81 = arith.mulf %max3A_19, %get3A_80 : vector<1000x128xf32>
    %get3A_82 = arith.constant 0 : index
    %get3A_83 = arith.constant 0 : index
    %get3A_84 = vector.load %arg5[%get3A_82, %get3A_83] : memref<128x128xf32, #tpu.memory_space<vmem>>, vector<128x128xf32>
    %dot_general3A_85 = arith.constant dense<0.000000e+00> : vector<1000x128xf32>
    %dot_general3A_86 = tpu.matmul %mul3A_81, %get3A_84, %dot_general3A_85 {dimension_numbers = #tpu.dot_dimension_numbers<[1], [0], [0], [1], [0, 0, 1, 1], [], []>, transpose_lhs_hint = false} : vector<1000x128xf32>, vector<128x128xf32>, vector<1000x128xf32> -> vector<1000x128xf32>
    %get3A_87 = arith.constant 0 : index
    %get3A_88 = arith.constant 0 : index
    %get3A_89 = vector.load %arg6[%get3A_87, %get3A_88] : memref<1x128xf32, #tpu.memory_space<vmem>>, vector<1x128xf32>
    %add3A_90 = vector.broadcast %get3A_89 : vector<1x128xf32> to vector<1000x128xf32>
    %add3A_91 = arith.addf %dot_general3A_86, %add3A_90 : vector<1000x128xf32>
    %mul3A_92 = arith.mulf %add3A_91, %add3A_91 : vector<1000x128xf32>
    %reduce_sum3A_93 = arith.constant dense<0.000000e+00> : vector<1000xf32>
    %reduce_sum3A_94 = vector.multi_reduction <add>, %mul3A_92, %reduce_sum3A_93 [1] : vector<1000x128xf32> to vector<1000xf32>
    %broadcast_in_dim3A_95 = vector.shape_cast %reduce_sum3A_94 : vector<1000xf32> to vector<1000x1xf32>
    %sqrt3A_96 = math.sqrt %broadcast_in_dim3A_95 : vector<1000x1xf32>
    %max3A_97 = arith.constant 9.99999993E-9 : f32
    %max3A_98 = vector.broadcast %max3A_97 : f32 to vector<1000x1xf32>
    %max3A_99 = arith.maximumf %sqrt3A_96, %max3A_98 : vector<1000x1xf32>
    %div3A_100 = vector.broadcast %max3A_99 : vector<1000x1xf32> to vector<1000x128xf32>
    %div3A_101 = arith.divf %add3A_91, %div3A_100 : vector<1000x128xf32>
    %dot_general3A_102 = arith.constant dense<0.000000e+00> : vector<1024x1000xf32>
    %dot_general3A_103 = tpu.matmul %div3A_5, %div3A_101, %dot_general3A_102 {dimension_numbers = #tpu.dot_dimension_numbers<[1], [1], [0], [0], [0, 0, 1, 0], [], []>, transpose_lhs_hint = false} : vector<1024x128xf32>, vector<1000x128xf32>, vector<1024x1000xf32> -> vector<1024x1000xf32>
    %get3A_104 = arith.constant 3 : index
    %get3A_105 = arith.constant 0 : index
    %get3A_106 = arith.constant 0 : index
    %get3A_107 = vector.load %arg7[%get3A_104, %get3A_105, %get3A_106] : memref<4x1000x128xf32, #tpu.memory_space<vmem>>, vector<1x1000x128xf32>
    %get3A_108 = vector.shape_cast %get3A_107 : vector<1x1000x128xf32> to vector<1000x128xf32>
    %mul3A_109 = arith.mulf %max3A_19, %get3A_108 : vector<1000x128xf32>
    %get3A_110 = arith.constant 0 : index
    %get3A_111 = arith.constant 0 : index
    %get3A_112 = vector.load %arg5[%get3A_110, %get3A_111] : memref<128x128xf32, #tpu.memory_space<vmem>>, vector<128x128xf32>
    %dot_general3A_113 = arith.constant dense<0.000000e+00> : vector<1000x128xf32>
    %dot_general3A_114 = tpu.matmul %mul3A_109, %get3A_112, %dot_general3A_113 {dimension_numbers = #tpu.dot_dimension_numbers<[1], [0], [0], [1], [0, 0, 1, 1], [], []>, transpose_lhs_hint = false} : vector<1000x128xf32>, vector<128x128xf32>, vector<1000x128xf32> -> vector<1000x128xf32>
    %get3A_115 = arith.constant 0 : index
    %get3A_116 = arith.constant 0 : index
    %get3A_117 = vector.load %arg6[%get3A_115, %get3A_116] : memref<1x128xf32, #tpu.memory_space<vmem>>, vector<1x128xf32>
    %add3A_118 = vector.broadcast %get3A_117 : vector<1x128xf32> to vector<1000x128xf32>
    %add3A_119 = arith.addf %dot_general3A_114, %add3A_118 : vector<1000x128xf32>
    %mul3A_120 = arith.mulf %add3A_119, %add3A_119 : vector<1000x128xf32>
    %reduce_sum3A_121 = arith.constant dense<0.000000e+00> : vector<1000xf32>
    %reduce_sum3A_122 = vector.multi_reduction <add>, %mul3A_120, %reduce_sum3A_121 [1] : vector<1000x128xf32> to vector<1000xf32>
    %broadcast_in_dim3A_123 = vector.shape_cast %reduce_sum3A_122 : vector<1000xf32> to vector<1000x1xf32>
    %sqrt3A_124 = math.sqrt %broadcast_in_dim3A_123 : vector<1000x1xf32>
    %max3A_125 = arith.constant 9.99999993E-9 : f32
    %max3A_126 = vector.broadcast %max3A_125 : f32 to vector<1000x1xf32>
    %max3A_127 = arith.maximumf %sqrt3A_124, %max3A_126 : vector<1000x1xf32>
    %div3A_128 = vector.broadcast %max3A_127 : vector<1000x1xf32> to vector<1000x128xf32>
    %div3A_129 = arith.divf %add3A_119, %div3A_128 : vector<1000x128xf32>
    %dot_general3A_130 = arith.constant dense<0.000000e+00> : vector<1024x1000xf32>
    %dot_general3A_131 = tpu.matmul %div3A_5, %div3A_129, %dot_general3A_130 {dimension_numbers = #tpu.dot_dimension_numbers<[1], [1], [0], [0], [0, 0, 1, 0], [], []>, transpose_lhs_hint = false} : vector<1024x128xf32>, vector<1000x128xf32>, vector<1024x1000xf32> -> vector<1024x1000xf32>
    %add3A_132 = arith.addf %dot_general3A_47, %dot_general3A_75 : vector<1024x1000xf32>
    %add3A_133 = arith.addf %dot_general3A_103, %dot_general3A_131 : vector<1024x1000xf32>
    %add3A_134 = arith.addf %add3A_132, %add3A_133 : vector<1024x1000xf32>
    %mul3A_135 = arith.mulf %dot_general3A_47, %dot_general3A_47 : vector<1024x1000xf32>
    %mul3A_136 = arith.mulf %dot_general3A_75, %dot_general3A_75 : vector<1024x1000xf32>
    %add3A_137 = arith.addf %mul3A_135, %mul3A_136 : vector<1024x1000xf32>
    %mul3A_138 = arith.mulf %dot_general3A_103, %dot_general3A_103 : vector<1024x1000xf32>
    %mul3A_139 = arith.mulf %dot_general3A_131, %dot_general3A_131 : vector<1024x1000xf32>
    %add3A_140 = arith.addf %mul3A_138, %mul3A_139 : vector<1024x1000xf32>
    %add3A_141 = arith.addf %add3A_137, %add3A_140 : vector<1024x1000xf32>
    %div3A_142 = arith.constant 4.000000e+00 : f32
    %div3A_143 = vector.broadcast %div3A_142 : f32 to vector<1024x1000xf32>
    %div3A_144 = arith.divf %add3A_134, %div3A_143 : vector<1024x1000xf32>
    %mul3A_145 = arith.mulf %div3A_144, %div3A_144 : vector<1024x1000xf32>
    %mul3A_146 = arith.constant 4.000000e+00 : f32
    %mul3A_147 = vector.broadcast %mul3A_146 : f32 to vector<1024x1000xf32>
    %mul3A_148 = arith.mulf %mul3A_147, %mul3A_145 : vector<1024x1000xf32>
    %sub3A = arith.subf %add3A_141, %mul3A_148 : vector<1024x1000xf32>
    %div3A_149 = arith.constant 3.000000e+00 : f32
    %div3A_150 = vector.broadcast %div3A_149 : f32 to vector<1024x1000xf32>
    %div3A_151 = arith.divf %sub3A, %div3A_150 : vector<1024x1000xf32>
    %iota3A = tpu.iota {dimensions = array<i32: 1>} : vector<1024x1000xi32>
    %mul3A_152 = arith.constant 1000 : i32
    %mul3A_153 = arith.muli %arg0, %mul3A_152 : i32
    %add3A_154 = vector.broadcast %mul3A_153 : i32 to vector<1024x1000xi32>
    %add3A_155 = arith.addi %iota3A, %add3A_154 : vector<1024x1000xi32>
    %neg3A = arith.constant 0 : i32
    %neg3A_156 = vector.broadcast %neg3A : i32 to vector<1024x1000xi32>
    %neg3A_157 = arith.subi %neg3A_156, %add3A_155 : vector<1024x1000xi32>
    %convert_element_type3A = arith.sitofp %neg3A_157 : vector<1024x1000xi32> to vector<1024x1000xf32>
    %reduce_max3A = arith.constant dense<0xFF800000> : vector<1024xf32>
    %reduce_max3A_158 = vector.multi_reduction <maximumf>, %div3A_144, %reduce_max3A [1] : vector<1024x1000xf32> to vector<1024xf32>
    %broadcast_in_dim3A_159 = vector.shape_cast %reduce_max3A_158 : vector<1024xf32> to vector<1024x1xf32>
    %eq3A = vector.broadcast %broadcast_in_dim3A_159 : vector<1024x1xf32> to vector<1024x1000xf32>
    %eq3A_160 = arith.cmpf oeq, %div3A_144, %eq3A : vector<1024x1000xf32>
    %jit3A = arith.constant 0xFF800000 : f32
    %broadcast_in_dim3A_161 = vector.broadcast %jit3A : f32 to vector<1024x1000xf32>
    %select_n3A = arith.select %eq3A_160, %convert_element_type3A, %broadcast_in_dim3A_161 : vector<1024x1000xi1>, vector<1024x1000xf32>
    %reduce_max3A_162 = arith.constant dense<0xFF800000> : vector<1024xf32>
    %reduce_max3A_163 = vector.multi_reduction <maximumf>, %select_n3A, %reduce_max3A_162 [1] : vector<1024x1000xf32> to vector<1024xf32>
    %broadcast_in_dim3A_164 = vector.shape_cast %reduce_max3A_163 : vector<1024xf32> to vector<1024x1xf32>
    %eq3A_165 = vector.broadcast %broadcast_in_dim3A_164 : vector<1024x1xf32> to vector<1024x1000xf32>
    %eq3A_166 = arith.cmpf oeq, %convert_element_type3A, %eq3A_165 : vector<1024x1000xf32>
    %jit3A_167 = arith.constant 0xFF800000 : f32
    %broadcast_in_dim3A_168 = vector.broadcast %jit3A_167 : f32 to vector<1024x1000xf32>
    %select_n3A_169 = arith.select %eq3A_166, %div3A_151, %broadcast_in_dim3A_168 : vector<1024x1000xi1>, vector<1024x1000xf32>
    %reduce_max3A_170 = arith.constant dense<0xFF800000> : vector<1024xf32>
    %reduce_max3A_171 = vector.multi_reduction <maximumf>, %select_n3A_169, %reduce_max3A_170 [1] : vector<1024x1000xf32> to vector<1024xf32>
    %broadcast_in_dim3A_172 = vector.shape_cast %reduce_max3A_171 : vector<1024xf32> to vector<1024x1xf32>
    %jit3A_173 = arith.constant 0xFF800000 : f32
    %broadcast_in_dim3A_174 = vector.broadcast %jit3A_173 : f32 to vector<1024x1000xf32>
    %select_n3A_175 = arith.select %eq3A_166, %broadcast_in_dim3A_174, %div3A_144 : vector<1024x1000xi1>, vector<1024x1000xf32>
    %reduce_max3A_176 = arith.constant dense<0xFF800000> : vector<1024xf32>
    %reduce_max3A_177 = vector.multi_reduction <maximumf>, %select_n3A_175, %reduce_max3A_176 [1] : vector<1024x1000xf32> to vector<1024xf32>
    %broadcast_in_dim3A_178 = vector.shape_cast %reduce_max3A_177 : vector<1024xf32> to vector<1024x1xf32>
    %eq3A_179 = vector.broadcast %broadcast_in_dim3A_178 : vector<1024x1xf32> to vector<1024x1000xf32>
    %eq3A_180 = arith.cmpf oeq, %select_n3A_175, %eq3A_179 : vector<1024x1000xf32>
    %jit3A_181 = arith.constant 0xFF800000 : f32
    %broadcast_in_dim3A_182 = vector.broadcast %jit3A_181 : f32 to vector<1024x1000xf32>
    %select_n3A_183 = arith.select %eq3A_180, %convert_element_type3A, %broadcast_in_dim3A_182 : vector<1024x1000xi1>, vector<1024x1000xf32>
    %reduce_max3A_184 = arith.constant dense<0xFF800000> : vector<1024xf32>
    %reduce_max3A_185 = vector.multi_reduction <maximumf>, %select_n3A_183, %reduce_max3A_184 [1] : vector<1024x1000xf32> to vector<1024xf32>
    %broadcast_in_dim3A_186 = vector.shape_cast %reduce_max3A_185 : vector<1024xf32> to vector<1024x1xf32>
    %eq3A_187 = vector.broadcast %broadcast_in_dim3A_186 : vector<1024x1xf32> to vector<1024x1000xf32>
    %eq3A_188 = arith.cmpf oeq, %convert_element_type3A, %eq3A_187 : vector<1024x1000xf32>
    %jit3A_189 = arith.constant 0xFF800000 : f32
    %broadcast_in_dim3A_190 = vector.broadcast %jit3A_189 : f32 to vector<1024x1000xf32>
    %select_n3A_191 = arith.select %eq3A_188, %div3A_151, %broadcast_in_dim3A_190 : vector<1024x1000xi1>, vector<1024x1000xf32>
    %reduce_max3A_192 = arith.constant dense<0xFF800000> : vector<1024xf32>
    %reduce_max3A_193 = vector.multi_reduction <maximumf>, %select_n3A_191, %reduce_max3A_192 [1] : vector<1024x1000xf32> to vector<1024xf32>
    %broadcast_in_dim3A_194 = vector.shape_cast %reduce_max3A_193 : vector<1024xf32> to vector<1024x1xf32>
    %jit3A_195 = arith.constant 0xFF800000 : f32
    %broadcast_in_dim3A_196 = vector.broadcast %jit3A_195 : f32 to vector<1024x1000xf32>
    %select_n3A_197 = arith.select %eq3A_188, %broadcast_in_dim3A_196, %select_n3A_175 : vector<1024x1000xi1>, vector<1024x1000xf32>
    %reduce_max3A_198 = arith.constant dense<0xFF800000> : vector<1024xf32>
    %reduce_max3A_199 = vector.multi_reduction <maximumf>, %select_n3A_197, %reduce_max3A_198 [1] : vector<1024x1000xf32> to vector<1024xf32>
    %broadcast_in_dim3A_200 = vector.shape_cast %reduce_max3A_199 : vector<1024xf32> to vector<1024x1xf32>
    %eq3A_201 = vector.broadcast %broadcast_in_dim3A_200 : vector<1024x1xf32> to vector<1024x1000xf32>
    %eq3A_202 = arith.cmpf oeq, %select_n3A_197, %eq3A_201 : vector<1024x1000xf32>
    %jit3A_203 = arith.constant 0xFF800000 : f32
    %broadcast_in_dim3A_204 = vector.broadcast %jit3A_203 : f32 to vector<1024x1000xf32>
    %select_n3A_205 = arith.select %eq3A_202, %convert_element_type3A, %broadcast_in_dim3A_204 : vector<1024x1000xi1>, vector<1024x1000xf32>
    %reduce_max3A_206 = arith.constant dense<0xFF800000> : vector<1024xf32>
    %reduce_max3A_207 = vector.multi_reduction <maximumf>, %select_n3A_205, %reduce_max3A_206 [1] : vector<1024x1000xf32> to vector<1024xf32>
    %broadcast_in_dim3A_208 = vector.shape_cast %reduce_max3A_207 : vector<1024xf32> to vector<1024x1xf32>
    %eq3A_209 = vector.broadcast %broadcast_in_dim3A_208 : vector<1024x1xf32> to vector<1024x1000xf32>
    %eq3A_210 = arith.cmpf oeq, %convert_element_type3A, %eq3A_209 : vector<1024x1000xf32>
    %jit3A_211 = arith.constant 0xFF800000 : f32
    %broadcast_in_dim3A_212 = vector.broadcast %jit3A_211 : f32 to vector<1024x1000xf32>
    %select_n3A_213 = arith.select %eq3A_210, %div3A_151, %broadcast_in_dim3A_212 : vector<1024x1000xi1>, vector<1024x1000xf32>
    %reduce_max3A_214 = arith.constant dense<0xFF800000> : vector<1024xf32>
    %reduce_max3A_215 = vector.multi_reduction <maximumf>, %select_n3A_213, %reduce_max3A_214 [1] : vector<1024x1000xf32> to vector<1024xf32>
    %broadcast_in_dim3A_216 = vector.shape_cast %reduce_max3A_215 : vector<1024xf32> to vector<1024x1xf32>
    %jit3A_217 = arith.constant 0xFF800000 : f32
    %broadcast_in_dim3A_218 = vector.broadcast %jit3A_217 : f32 to vector<1024x1000xf32>
    %select_n3A_219 = arith.select %eq3A_210, %broadcast_in_dim3A_218, %select_n3A_197 : vector<1024x1000xi1>, vector<1024x1000xf32>
    %reduce_max3A_220 = arith.constant dense<0xFF800000> : vector<1024xf32>
    %reduce_max3A_221 = vector.multi_reduction <maximumf>, %select_n3A_219, %reduce_max3A_220 [1] : vector<1024x1000xf32> to vector<1024xf32>
    %broadcast_in_dim3A_222 = vector.shape_cast %reduce_max3A_221 : vector<1024xf32> to vector<1024x1xf32>
    %eq3A_223 = vector.broadcast %broadcast_in_dim3A_222 : vector<1024x1xf32> to vector<1024x1000xf32>
    %eq3A_224 = arith.cmpf oeq, %select_n3A_219, %eq3A_223 : vector<1024x1000xf32>
    %jit3A_225 = arith.constant 0xFF800000 : f32
    %broadcast_in_dim3A_226 = vector.broadcast %jit3A_225 : f32 to vector<1024x1000xf32>
    %select_n3A_227 = arith.select %eq3A_224, %convert_element_type3A, %broadcast_in_dim3A_226 : vector<1024x1000xi1>, vector<1024x1000xf32>
    %reduce_max3A_228 = arith.constant dense<0xFF800000> : vector<1024xf32>
    %reduce_max3A_229 = vector.multi_reduction <maximumf>, %select_n3A_227, %reduce_max3A_228 [1] : vector<1024x1000xf32> to vector<1024xf32>
    %broadcast_in_dim3A_230 = vector.shape_cast %reduce_max3A_229 : vector<1024xf32> to vector<1024x1xf32>
    %eq3A_231 = vector.broadcast %broadcast_in_dim3A_230 : vector<1024x1xf32> to vector<1024x1000xf32>
    %eq3A_232 = arith.cmpf oeq, %convert_element_type3A, %eq3A_231 : vector<1024x1000xf32>
    %jit3A_233 = arith.constant 0xFF800000 : f32
    %broadcast_in_dim3A_234 = vector.broadcast %jit3A_233 : f32 to vector<1024x1000xf32>
    %select_n3A_235 = arith.select %eq3A_232, %div3A_151, %broadcast_in_dim3A_234 : vector<1024x1000xi1>, vector<1024x1000xf32>
    %reduce_max3A_236 = arith.constant dense<0xFF800000> : vector<1024xf32>
    %reduce_max3A_237 = vector.multi_reduction <maximumf>, %select_n3A_235, %reduce_max3A_236 [1] : vector<1024x1000xf32> to vector<1024xf32>
    %broadcast_in_dim3A_238 = vector.shape_cast %reduce_max3A_237 : vector<1024xf32> to vector<1024x1xf32>
    %jit3A_239 = arith.constant 0xFF800000 : f32
    %broadcast_in_dim3A_240 = vector.broadcast %jit3A_239 : f32 to vector<1024x1000xf32>
    %select_n3A_241 = arith.select %eq3A_232, %broadcast_in_dim3A_240, %select_n3A_219 : vector<1024x1000xi1>, vector<1024x1000xf32>
    %reduce_max3A_242 = arith.constant dense<0xFF800000> : vector<1024xf32>
    %reduce_max3A_243 = vector.multi_reduction <maximumf>, %select_n3A_241, %reduce_max3A_242 [1] : vector<1024x1000xf32> to vector<1024xf32>
    %broadcast_in_dim3A_244 = vector.shape_cast %reduce_max3A_243 : vector<1024xf32> to vector<1024x1xf32>
    %eq3A_245 = vector.broadcast %broadcast_in_dim3A_244 : vector<1024x1xf32> to vector<1024x1000xf32>
    %eq3A_246 = arith.cmpf oeq, %select_n3A_241, %eq3A_245 : vector<1024x1000xf32>
    %jit3A_247 = arith.constant 0xFF800000 : f32
    %broadcast_in_dim3A_248 = vector.broadcast %jit3A_247 : f32 to vector<1024x1000xf32>
    %select_n3A_249 = arith.select %eq3A_246, %convert_element_type3A, %broadcast_in_dim3A_248 : vector<1024x1000xi1>, vector<1024x1000xf32>
    %reduce_max3A_250 = arith.constant dense<0xFF800000> : vector<1024xf32>
    %reduce_max3A_251 = vector.multi_reduction <maximumf>, %select_n3A_249, %reduce_max3A_250 [1] : vector<1024x1000xf32> to vector<1024xf32>
    %broadcast_in_dim3A_252 = vector.shape_cast %reduce_max3A_251 : vector<1024xf32> to vector<1024x1xf32>
    %eq3A_253 = vector.broadcast %broadcast_in_dim3A_252 : vector<1024x1xf32> to vector<1024x1000xf32>
    %eq3A_254 = arith.cmpf oeq, %convert_element_type3A, %eq3A_253 : vector<1024x1000xf32>
    %jit3A_255 = arith.constant 0xFF800000 : f32
    %broadcast_in_dim3A_256 = vector.broadcast %jit3A_255 : f32 to vector<1024x1000xf32>
    %select_n3A_257 = arith.select %eq3A_254, %div3A_151, %broadcast_in_dim3A_256 : vector<1024x1000xi1>, vector<1024x1000xf32>
    %reduce_max3A_258 = arith.constant dense<0xFF800000> : vector<1024xf32>
    %reduce_max3A_259 = vector.multi_reduction <maximumf>, %select_n3A_257, %reduce_max3A_258 [1] : vector<1024x1000xf32> to vector<1024xf32>
    %broadcast_in_dim3A_260 = vector.shape_cast %reduce_max3A_259 : vector<1024xf32> to vector<1024x1xf32>
    %jit3A_261 = arith.constant 0xFF800000 : f32
    %broadcast_in_dim3A_262 = vector.broadcast %jit3A_261 : f32 to vector<1024x1000xf32>
    %select_n3A_263 = arith.select %eq3A_254, %broadcast_in_dim3A_262, %select_n3A_241 : vector<1024x1000xi1>, vector<1024x1000xf32>
    %reduce_max3A_264 = arith.constant dense<0xFF800000> : vector<1024xf32>
    %reduce_max3A_265 = vector.multi_reduction <maximumf>, %select_n3A_263, %reduce_max3A_264 [1] : vector<1024x1000xf32> to vector<1024xf32>
    %broadcast_in_dim3A_266 = vector.shape_cast %reduce_max3A_265 : vector<1024xf32> to vector<1024x1xf32>
    %eq3A_267 = vector.broadcast %broadcast_in_dim3A_266 : vector<1024x1xf32> to vector<1024x1000xf32>
    %eq3A_268 = arith.cmpf oeq, %select_n3A_263, %eq3A_267 : vector<1024x1000xf32>
    %jit3A_269 = arith.constant 0xFF800000 : f32
    %broadcast_in_dim3A_270 = vector.broadcast %jit3A_269 : f32 to vector<1024x1000xf32>
    %select_n3A_271 = arith.select %eq3A_268, %convert_element_type3A, %broadcast_in_dim3A_270 : vector<1024x1000xi1>, vector<1024x1000xf32>
    %reduce_max3A_272 = arith.constant dense<0xFF800000> : vector<1024xf32>
    %reduce_max3A_273 = vector.multi_reduction <maximumf>, %select_n3A_271, %reduce_max3A_272 [1] : vector<1024x1000xf32> to vector<1024xf32>
    %broadcast_in_dim3A_274 = vector.shape_cast %reduce_max3A_273 : vector<1024xf32> to vector<1024x1xf32>
    %eq3A_275 = vector.broadcast %broadcast_in_dim3A_274 : vector<1024x1xf32> to vector<1024x1000xf32>
    %eq3A_276 = arith.cmpf oeq, %convert_element_type3A, %eq3A_275 : vector<1024x1000xf32>
    %jit3A_277 = arith.constant 0xFF800000 : f32
    %broadcast_in_dim3A_278 = vector.broadcast %jit3A_277 : f32 to vector<1024x1000xf32>
    %select_n3A_279 = arith.select %eq3A_276, %div3A_151, %broadcast_in_dim3A_278 : vector<1024x1000xi1>, vector<1024x1000xf32>
    %reduce_max3A_280 = arith.constant dense<0xFF800000> : vector<1024xf32>
    %reduce_max3A_281 = vector.multi_reduction <maximumf>, %select_n3A_279, %reduce_max3A_280 [1] : vector<1024x1000xf32> to vector<1024xf32>
    %broadcast_in_dim3A_282 = vector.shape_cast %reduce_max3A_281 : vector<1024xf32> to vector<1024x1xf32>
    %jit3A_283 = arith.constant 0xFF800000 : f32
    %broadcast_in_dim3A_284 = vector.broadcast %jit3A_283 : f32 to vector<1024x1000xf32>
    %select_n3A_285 = arith.select %eq3A_276, %broadcast_in_dim3A_284, %select_n3A_263 : vector<1024x1000xi1>, vector<1024x1000xf32>
    %reduce_max3A_286 = arith.constant dense<0xFF800000> : vector<1024xf32>
    %reduce_max3A_287 = vector.multi_reduction <maximumf>, %select_n3A_285, %reduce_max3A_286 [1] : vector<1024x1000xf32> to vector<1024xf32>
    %broadcast_in_dim3A_288 = vector.shape_cast %reduce_max3A_287 : vector<1024xf32> to vector<1024x1xf32>
    %eq3A_289 = vector.broadcast %broadcast_in_dim3A_288 : vector<1024x1xf32> to vector<1024x1000xf32>
    %eq3A_290 = arith.cmpf oeq, %select_n3A_285, %eq3A_289 : vector<1024x1000xf32>
    %jit3A_291 = arith.constant 0xFF800000 : f32
    %broadcast_in_dim3A_292 = vector.broadcast %jit3A_291 : f32 to vector<1024x1000xf32>
    %select_n3A_293 = arith.select %eq3A_290, %convert_element_type3A, %broadcast_in_dim3A_292 : vector<1024x1000xi1>, vector<1024x1000xf32>
    %reduce_max3A_294 = arith.constant dense<0xFF800000> : vector<1024xf32>
    %reduce_max3A_295 = vector.multi_reduction <maximumf>, %select_n3A_293, %reduce_max3A_294 [1] : vector<1024x1000xf32> to vector<1024xf32>
    %broadcast_in_dim3A_296 = vector.shape_cast %reduce_max3A_295 : vector<1024xf32> to vector<1024x1xf32>
    %eq3A_297 = vector.broadcast %broadcast_in_dim3A_296 : vector<1024x1xf32> to vector<1024x1000xf32>
    %eq3A_298 = arith.cmpf oeq, %convert_element_type3A, %eq3A_297 : vector<1024x1000xf32>
    %jit3A_299 = arith.constant 0xFF800000 : f32
    %broadcast_in_dim3A_300 = vector.broadcast %jit3A_299 : f32 to vector<1024x1000xf32>
    %select_n3A_301 = arith.select %eq3A_298, %div3A_151, %broadcast_in_dim3A_300 : vector<1024x1000xi1>, vector<1024x1000xf32>
    %reduce_max3A_302 = arith.constant dense<0xFF800000> : vector<1024xf32>
    %reduce_max3A_303 = vector.multi_reduction <maximumf>, %select_n3A_301, %reduce_max3A_302 [1] : vector<1024x1000xf32> to vector<1024xf32>
    %broadcast_in_dim3A_304 = vector.shape_cast %reduce_max3A_303 : vector<1024xf32> to vector<1024x1xf32>
    %jit3A_305 = arith.constant 0xFF800000 : f32
    %broadcast_in_dim3A_306 = vector.broadcast %jit3A_305 : f32 to vector<1024x1000xf32>
    %select_n3A_307 = arith.select %eq3A_298, %broadcast_in_dim3A_306, %select_n3A_285 : vector<1024x1000xi1>, vector<1024x1000xf32>
    %reduce_max3A_308 = arith.constant dense<0xFF800000> : vector<1024xf32>
    %reduce_max3A_309 = vector.multi_reduction <maximumf>, %select_n3A_307, %reduce_max3A_308 [1] : vector<1024x1000xf32> to vector<1024xf32>
    %broadcast_in_dim3A_310 = vector.shape_cast %reduce_max3A_309 : vector<1024xf32> to vector<1024x1xf32>
    %eq3A_311 = vector.broadcast %broadcast_in_dim3A_310 : vector<1024x1xf32> to vector<1024x1000xf32>
    %eq3A_312 = arith.cmpf oeq, %select_n3A_307, %eq3A_311 : vector<1024x1000xf32>
    %jit3A_313 = arith.constant 0xFF800000 : f32
    %broadcast_in_dim3A_314 = vector.broadcast %jit3A_313 : f32 to vector<1024x1000xf32>
    %select_n3A_315 = arith.select %eq3A_312, %convert_element_type3A, %broadcast_in_dim3A_314 : vector<1024x1000xi1>, vector<1024x1000xf32>
    %reduce_max3A_316 = arith.constant dense<0xFF800000> : vector<1024xf32>
    %reduce_max3A_317 = vector.multi_reduction <maximumf>, %select_n3A_315, %reduce_max3A_316 [1] : vector<1024x1000xf32> to vector<1024xf32>
    %broadcast_in_dim3A_318 = vector.shape_cast %reduce_max3A_317 : vector<1024xf32> to vector<1024x1xf32>
    %eq3A_319 = vector.broadcast %broadcast_in_dim3A_318 : vector<1024x1xf32> to vector<1024x1000xf32>
    %eq3A_320 = arith.cmpf oeq, %convert_element_type3A, %eq3A_319 : vector<1024x1000xf32>
    %jit3A_321 = arith.constant 0xFF800000 : f32
    %broadcast_in_dim3A_322 = vector.broadcast %jit3A_321 : f32 to vector<1024x1000xf32>
    %select_n3A_323 = arith.select %eq3A_320, %div3A_151, %broadcast_in_dim3A_322 : vector<1024x1000xi1>, vector<1024x1000xf32>
    %reduce_max3A_324 = arith.constant dense<0xFF800000> : vector<1024xf32>
    %reduce_max3A_325 = vector.multi_reduction <maximumf>, %select_n3A_323, %reduce_max3A_324 [1] : vector<1024x1000xf32> to vector<1024xf32>
    %broadcast_in_dim3A_326 = vector.shape_cast %reduce_max3A_325 : vector<1024xf32> to vector<1024x1xf32>
    %concatenate3A = tpu.concatenate %broadcast_in_dim3A_159, %broadcast_in_dim3A_178, %broadcast_in_dim3A_200, %broadcast_in_dim3A_222, %broadcast_in_dim3A_244, %broadcast_in_dim3A_266, %broadcast_in_dim3A_288, %broadcast_in_dim3A_310 in 1 : vector<1024x1xf32>, vector<1024x1xf32>, vector<1024x1xf32>, vector<1024x1xf32>, vector<1024x1xf32>, vector<1024x1xf32>, vector<1024x1xf32>, vector<1024x1xf32> -> vector<1024x8xf32>
    %concatenate3A_327 = tpu.concatenate %broadcast_in_dim3A_164, %broadcast_in_dim3A_186, %broadcast_in_dim3A_208, %broadcast_in_dim3A_230, %broadcast_in_dim3A_252, %broadcast_in_dim3A_274, %broadcast_in_dim3A_296, %broadcast_in_dim3A_318 in 1 : vector<1024x1xf32>, vector<1024x1xf32>, vector<1024x1xf32>, vector<1024x1xf32>, vector<1024x1xf32>, vector<1024x1xf32>, vector<1024x1xf32>, vector<1024x1xf32> -> vector<1024x8xf32>
    %concatenate3A_328 = tpu.concatenate %broadcast_in_dim3A_172, %broadcast_in_dim3A_194, %broadcast_in_dim3A_216, %broadcast_in_dim3A_238, %broadcast_in_dim3A_260, %broadcast_in_dim3A_282, %broadcast_in_dim3A_304, %broadcast_in_dim3A_326 in 1 : vector<1024x1xf32>, vector<1024x1xf32>, vector<1024x1xf32>, vector<1024x1xf32>, vector<1024x1xf32>, vector<1024x1xf32>, vector<1024x1xf32>, vector<1024x1xf32> -> vector<1024x8xf32>
    %swap3A = arith.constant 0 : index
    %swap3A_329 = arith.constant 0 : index
    %swap3A_330 = arith.constant 0 : index
    %swap3A_331 = vector.load %arg8[%swap3A, %swap3A_329, %swap3A_330] : memref<1x1024x8xf32, #tpu.memory_space<vmem>>, vector<1x1024x8xf32>
    %swap3A_332 = vector.shape_cast %swap3A_331 : vector<1x1024x8xf32> to vector<1024x8xf32>
    %swap3A_333 = vector.shape_cast %concatenate3A : vector<1024x8xf32> to vector<1x1024x8xf32>
    tpu.vector_store %arg8[%swap3A, %swap3A_329, %swap3A_330], %swap3A_333 {strides = array<i32>} : memref<1x1024x8xf32, #tpu.memory_space<vmem>>, vector<1x1024x8xf32>,
    %swap3A_334 = arith.constant 0 : index
    %swap3A_335 = arith.constant 0 : index
    %swap3A_336 = arith.constant 0 : index
    %swap3A_337 = vector.load %arg9[%swap3A_334, %swap3A_335, %swap3A_336] : memref<1x1024x8xf32, #tpu.memory_space<vmem>>, vector<1x1024x8xf32>
    %swap3A_338 = vector.shape_cast %swap3A_337 : vector<1x1024x8xf32> to vector<1024x8xf32>
    %swap3A_339 = vector.shape_cast %concatenate3A_327 : vector<1024x8xf32> to vector<1x1024x8xf32>
    tpu.vector_store %arg9[%swap3A_334, %swap3A_335, %swap3A_336], %swap3A_339 {strides = array<i32>} : memref<1x1024x8xf32, #tpu.memory_space<vmem>>, vector<1x1024x8xf32>,
    %swap3A_340 = arith.constant 0 : index
    %swap3A_341 = arith.constant 0 : index
    %swap3A_342 = arith.constant 0 : index
    %swap3A_343 = vector.load %arg10[%swap3A_340, %swap3A_341, %swap3A_342] : memref<1x1024x8xf32, #tpu.memory_space<vmem>>, vector<1x1024x8xf32>
    %swap3A_344 = vector.shape_cast %swap3A_343 : vector<1x1024x8xf32> to vector<1024x8xf32>
    %swap3A_345 = vector.shape_cast %concatenate3A_328 : vector<1024x8xf32> to vector<1x1024x8xf32>
    tpu.vector_store %arg10[%swap3A_340, %swap3A_341, %swap3A_342], %swap3A_345 {strides = array<i32>} : memref<1x1024x8xf32, #tpu.memory_space<vmem>>, vector<1x1024x8xf32>,
    return
  }
  func.func @transform_0(%arg0: i32) -> (i32, i32) {
    %c0_i32 = arith.constant 0 : i32
    %c0_i32_0 = arith.constant 0 : i32
    %c0_i32_1 = arith.constant 0 : i32
    return %c0_i32, %c0_i32_0 : i32, i32
  }
  func.func @transform_1(%arg0: i32) -> (i32, i32) {
    %c0_i32 = arith.constant 0 : i32
    %c0_i32_0 = arith.constant 0 : i32
    return %arg0, %c0_i32 : i32, i32
  }
  func.func @transform_2(%arg0: i32) -> (i32, i32) {
    %c0_i32 = arith.constant 0 : i32
    %c0_i32_0 = arith.constant 0 : i32
    %c0_i32_1 = arith.constant 0 : i32
    return %c0_i32, %c0_i32_0 : i32, i32
  }
  func.func @transform_3(%arg0: i32) -> (i32, i32) {
    %c0_i32 = arith.constant 0 : i32
    %c0_i32_0 = arith.constant 0 : i32
    %c0_i32_1 = arith.constant 0 : i32
    return %c0_i32, %c0_i32_0 : i32, i32
  }
  func.func @transform_4(%arg0: i32) -> (i32, i32) {
    %c0_i32 = arith.constant 0 : i32
    %c0_i32_0 = arith.constant 0 : i32
    %c0_i32_1 = arith.constant 0 : i32
    return %c0_i32, %c0_i32_0 : i32, i32
  }
  func.func @transform_5(%arg0: i32) -> (i32, i32) {
    %c0_i32 = arith.constant 0 : i32
    %c0_i32_0 = arith.constant 0 : i32
    %c0_i32_1 = arith.constant 0 : i32
    return %c0_i32, %c0_i32_0 : i32, i32
  }
  func.func @transform_6(%arg0: i32) -> (i32, i32, i32) {
    %c0_i32 = arith.constant 0 : i32
    %c0_i32_0 = arith.constant 0 : i32
    %c0_i32_1 = arith.constant 0 : i32
    return %c0_i32, %arg0, %c0_i32_0 : i32, i32, i32
  }
  func.func @transform_7(%arg0: i32) -> (i32, i32, i32) {
    %c0_i32 = arith.constant 0 : i32
    %c0_i32_0 = arith.constant 0 : i32
    %c0_i32_1 = arith.constant 0 : i32
    return %arg0, %c0_i32, %c0_i32_0 : i32, i32, i32
  }
  func.func @transform_8(%arg0: i32) -> (i32, i32, i32) {
    %c0_i32 = arith.constant 0 : i32
    %c0_i32_0 = arith.constant 0 : i32
    %c0_i32_1 = arith.constant 0 : i32
    return %arg0, %c0_i32, %c0_i32_0 : i32, i32, i32
  }
  func.func @transform_9(%arg0: i32) -> (i32, i32, i32) {
    %c0_i32 = arith.constant 0 : i32
    %c0_i32_0 = arith.constant 0 : i32
    %c0_i32_1 = arith.constant 0 : i32
    return %arg0, %c0_i32, %c0_i32_0 : i32, i32, i32
  }
}

module attributes {stable_mosaic.version = 14 : i64} {
  func.func @_final_topk_body(%arg0: memref<1024x400xf32, #tpu.memory_space<vmem>>, %arg1: memref<1024x400xf32, #tpu.memory_space<vmem>>, %arg2: memref<1024x400xf32, #tpu.memory_space<vmem>>, %arg3: memref<1024x8xf32, #tpu.memory_space<vmem>>, %arg4: memref<1024x8xi32, #tpu.memory_space<vmem>>, %arg5: memref<1024x8xf32, #tpu.memory_space<vmem>>) attributes {dimension_semantics = [], scalar_prefetch = 0 : i64, scratch_operands = 0 : i64, tpu.core_type = #tpu.core_type<tc>} {
    %get3A = arith.constant 0 : index
    %get3A_0 = arith.constant 0 : index
    %get3A_1 = vector.load %arg0[%get3A, %get3A_0] : memref<1024x400xf32, #tpu.memory_space<vmem>>, vector<1024x400xf32>
    %get3A_2 = arith.constant 0 : index
    %get3A_3 = arith.constant 0 : index
    %get3A_4 = vector.load %arg1[%get3A_2, %get3A_3] : memref<1024x400xf32, #tpu.memory_space<vmem>>, vector<1024x400xf32>
    %get3A_5 = arith.constant 0 : index
    %get3A_6 = arith.constant 0 : index
    %get3A_7 = vector.load %arg2[%get3A_5, %get3A_6] : memref<1024x400xf32, #tpu.memory_space<vmem>>, vector<1024x400xf32>
    %reduce_max3A = arith.constant dense<0xFF800000> : vector<1024xf32>
    %reduce_max3A_8 = vector.multi_reduction <maximumf>, %get3A_1, %reduce_max3A [1] : vector<1024x400xf32> to vector<1024xf32>
    %broadcast_in_dim3A = vector.shape_cast %reduce_max3A_8 : vector<1024xf32> to vector<1024x1xf32>
    %eq3A = vector.broadcast %broadcast_in_dim3A : vector<1024x1xf32> to vector<1024x400xf32>
    %eq3A_9 = arith.cmpf oeq, %get3A_1, %eq3A : vector<1024x400xf32>
    %jit3A = arith.constant 0xFF800000 : f32
    %broadcast_in_dim3A_10 = vector.broadcast %jit3A : f32 to vector<1024x400xf32>
    %select_n3A = arith.select %eq3A_9, %get3A_4, %broadcast_in_dim3A_10 : vector<1024x400xi1>, vector<1024x400xf32>
    %reduce_max3A_11 = arith.constant dense<0xFF800000> : vector<1024xf32>
    %reduce_max3A_12 = vector.multi_reduction <maximumf>, %select_n3A, %reduce_max3A_11 [1] : vector<1024x400xf32> to vector<1024xf32>
    %broadcast_in_dim3A_13 = vector.shape_cast %reduce_max3A_12 : vector<1024xf32> to vector<1024x1xf32>
    %eq3A_14 = vector.broadcast %broadcast_in_dim3A_13 : vector<1024x1xf32> to vector<1024x400xf32>
    %eq3A_15 = arith.cmpf oeq, %get3A_4, %eq3A_14 : vector<1024x400xf32>
    %jit3A_16 = arith.constant 0xFF800000 : f32
    %broadcast_in_dim3A_17 = vector.broadcast %jit3A_16 : f32 to vector<1024x400xf32>
    %select_n3A_18 = arith.select %eq3A_15, %get3A_7, %broadcast_in_dim3A_17 : vector<1024x400xi1>, vector<1024x400xf32>
    %reduce_max3A_19 = arith.constant dense<0xFF800000> : vector<1024xf32>
    %reduce_max3A_20 = vector.multi_reduction <maximumf>, %select_n3A_18, %reduce_max3A_19 [1] : vector<1024x400xf32> to vector<1024xf32>
    %broadcast_in_dim3A_21 = vector.shape_cast %reduce_max3A_20 : vector<1024xf32> to vector<1024x1xf32>
    %jit3A_22 = arith.constant 0xFF800000 : f32
    %broadcast_in_dim3A_23 = vector.broadcast %jit3A_22 : f32 to vector<1024x400xf32>
    %select_n3A_24 = arith.select %eq3A_15, %broadcast_in_dim3A_23, %get3A_1 : vector<1024x400xi1>, vector<1024x400xf32>
    %reduce_max3A_25 = arith.constant dense<0xFF800000> : vector<1024xf32>
    %reduce_max3A_26 = vector.multi_reduction <maximumf>, %select_n3A_24, %reduce_max3A_25 [1] : vector<1024x400xf32> to vector<1024xf32>
    %broadcast_in_dim3A_27 = vector.shape_cast %reduce_max3A_26 : vector<1024xf32> to vector<1024x1xf32>
    %eq3A_28 = vector.broadcast %broadcast_in_dim3A_27 : vector<1024x1xf32> to vector<1024x400xf32>
    %eq3A_29 = arith.cmpf oeq, %select_n3A_24, %eq3A_28 : vector<1024x400xf32>
    %jit3A_30 = arith.constant 0xFF800000 : f32
    %broadcast_in_dim3A_31 = vector.broadcast %jit3A_30 : f32 to vector<1024x400xf32>
    %select_n3A_32 = arith.select %eq3A_29, %get3A_4, %broadcast_in_dim3A_31 : vector<1024x400xi1>, vector<1024x400xf32>
    %reduce_max3A_33 = arith.constant dense<0xFF800000> : vector<1024xf32>
    %reduce_max3A_34 = vector.multi_reduction <maximumf>, %select_n3A_32, %reduce_max3A_33 [1] : vector<1024x400xf32> to vector<1024xf32>
    %broadcast_in_dim3A_35 = vector.shape_cast %reduce_max3A_34 : vector<1024xf32> to vector<1024x1xf32>
    %eq3A_36 = vector.broadcast %broadcast_in_dim3A_35 : vector<1024x1xf32> to vector<1024x400xf32>
    %eq3A_37 = arith.cmpf oeq, %get3A_4, %eq3A_36 : vector<1024x400xf32>
    %jit3A_38 = arith.constant 0xFF800000 : f32
    %broadcast_in_dim3A_39 = vector.broadcast %jit3A_38 : f32 to vector<1024x400xf32>
    %select_n3A_40 = arith.select %eq3A_37, %get3A_7, %broadcast_in_dim3A_39 : vector<1024x400xi1>, vector<1024x400xf32>
    %reduce_max3A_41 = arith.constant dense<0xFF800000> : vector<1024xf32>
    %reduce_max3A_42 = vector.multi_reduction <maximumf>, %select_n3A_40, %reduce_max3A_41 [1] : vector<1024x400xf32> to vector<1024xf32>
    %broadcast_in_dim3A_43 = vector.shape_cast %reduce_max3A_42 : vector<1024xf32> to vector<1024x1xf32>
    %jit3A_44 = arith.constant 0xFF800000 : f32
    %broadcast_in_dim3A_45 = vector.broadcast %jit3A_44 : f32 to vector<1024x400xf32>
    %select_n3A_46 = arith.select %eq3A_37, %broadcast_in_dim3A_45, %select_n3A_24 : vector<1024x400xi1>, vector<1024x400xf32>
    %reduce_max3A_47 = arith.constant dense<0xFF800000> : vector<1024xf32>
    %reduce_max3A_48 = vector.multi_reduction <maximumf>, %select_n3A_46, %reduce_max3A_47 [1] : vector<1024x400xf32> to vector<1024xf32>
    %broadcast_in_dim3A_49 = vector.shape_cast %reduce_max3A_48 : vector<1024xf32> to vector<1024x1xf32>
    %eq3A_50 = vector.broadcast %broadcast_in_dim3A_49 : vector<1024x1xf32> to vector<1024x400xf32>
    %eq3A_51 = arith.cmpf oeq, %select_n3A_46, %eq3A_50 : vector<1024x400xf32>
    %jit3A_52 = arith.constant 0xFF800000 : f32
    %broadcast_in_dim3A_53 = vector.broadcast %jit3A_52 : f32 to vector<1024x400xf32>
    %select_n3A_54 = arith.select %eq3A_51, %get3A_4, %broadcast_in_dim3A_53 : vector<1024x400xi1>, vector<1024x400xf32>
    %reduce_max3A_55 = arith.constant dense<0xFF800000> : vector<1024xf32>
    %reduce_max3A_56 = vector.multi_reduction <maximumf>, %select_n3A_54, %reduce_max3A_55 [1] : vector<1024x400xf32> to vector<1024xf32>
    %broadcast_in_dim3A_57 = vector.shape_cast %reduce_max3A_56 : vector<1024xf32> to vector<1024x1xf32>
    %eq3A_58 = vector.broadcast %broadcast_in_dim3A_57 : vector<1024x1xf32> to vector<1024x400xf32>
    %eq3A_59 = arith.cmpf oeq, %get3A_4, %eq3A_58 : vector<1024x400xf32>
    %jit3A_60 = arith.constant 0xFF800000 : f32
    %broadcast_in_dim3A_61 = vector.broadcast %jit3A_60 : f32 to vector<1024x400xf32>
    %select_n3A_62 = arith.select %eq3A_59, %get3A_7, %broadcast_in_dim3A_61 : vector<1024x400xi1>, vector<1024x400xf32>
    %reduce_max3A_63 = arith.constant dense<0xFF800000> : vector<1024xf32>
    %reduce_max3A_64 = vector.multi_reduction <maximumf>, %select_n3A_62, %reduce_max3A_63 [1] : vector<1024x400xf32> to vector<1024xf32>
    %broadcast_in_dim3A_65 = vector.shape_cast %reduce_max3A_64 : vector<1024xf32> to vector<1024x1xf32>
    %jit3A_66 = arith.constant 0xFF800000 : f32
    %broadcast_in_dim3A_67 = vector.broadcast %jit3A_66 : f32 to vector<1024x400xf32>
    %select_n3A_68 = arith.select %eq3A_59, %broadcast_in_dim3A_67, %select_n3A_46 : vector<1024x400xi1>, vector<1024x400xf32>
    %reduce_max3A_69 = arith.constant dense<0xFF800000> : vector<1024xf32>
    %reduce_max3A_70 = vector.multi_reduction <maximumf>, %select_n3A_68, %reduce_max3A_69 [1] : vector<1024x400xf32> to vector<1024xf32>
    %broadcast_in_dim3A_71 = vector.shape_cast %reduce_max3A_70 : vector<1024xf32> to vector<1024x1xf32>
    %eq3A_72 = vector.broadcast %broadcast_in_dim3A_71 : vector<1024x1xf32> to vector<1024x400xf32>
    %eq3A_73 = arith.cmpf oeq, %select_n3A_68, %eq3A_72 : vector<1024x400xf32>
    %jit3A_74 = arith.constant 0xFF800000 : f32
    %broadcast_in_dim3A_75 = vector.broadcast %jit3A_74 : f32 to vector<1024x400xf32>
    %select_n3A_76 = arith.select %eq3A_73, %get3A_4, %broadcast_in_dim3A_75 : vector<1024x400xi1>, vector<1024x400xf32>
    %reduce_max3A_77 = arith.constant dense<0xFF800000> : vector<1024xf32>
    %reduce_max3A_78 = vector.multi_reduction <maximumf>, %select_n3A_76, %reduce_max3A_77 [1] : vector<1024x400xf32> to vector<1024xf32>
    %broadcast_in_dim3A_79 = vector.shape_cast %reduce_max3A_78 : vector<1024xf32> to vector<1024x1xf32>
    %eq3A_80 = vector.broadcast %broadcast_in_dim3A_79 : vector<1024x1xf32> to vector<1024x400xf32>
    %eq3A_81 = arith.cmpf oeq, %get3A_4, %eq3A_80 : vector<1024x400xf32>
    %jit3A_82 = arith.constant 0xFF800000 : f32
    %broadcast_in_dim3A_83 = vector.broadcast %jit3A_82 : f32 to vector<1024x400xf32>
    %select_n3A_84 = arith.select %eq3A_81, %get3A_7, %broadcast_in_dim3A_83 : vector<1024x400xi1>, vector<1024x400xf32>
    %reduce_max3A_85 = arith.constant dense<0xFF800000> : vector<1024xf32>
    %reduce_max3A_86 = vector.multi_reduction <maximumf>, %select_n3A_84, %reduce_max3A_85 [1] : vector<1024x400xf32> to vector<1024xf32>
    %broadcast_in_dim3A_87 = vector.shape_cast %reduce_max3A_86 : vector<1024xf32> to vector<1024x1xf32>
    %jit3A_88 = arith.constant 0xFF800000 : f32
    %broadcast_in_dim3A_89 = vector.broadcast %jit3A_88 : f32 to vector<1024x400xf32>
    %select_n3A_90 = arith.select %eq3A_81, %broadcast_in_dim3A_89, %select_n3A_68 : vector<1024x400xi1>, vector<1024x400xf32>
    %reduce_max3A_91 = arith.constant dense<0xFF800000> : vector<1024xf32>
    %reduce_max3A_92 = vector.multi_reduction <maximumf>, %select_n3A_90, %reduce_max3A_91 [1] : vector<1024x400xf32> to vector<1024xf32>
    %broadcast_in_dim3A_93 = vector.shape_cast %reduce_max3A_92 : vector<1024xf32> to vector<1024x1xf32>
    %eq3A_94 = vector.broadcast %broadcast_in_dim3A_93 : vector<1024x1xf32> to vector<1024x400xf32>
    %eq3A_95 = arith.cmpf oeq, %select_n3A_90, %eq3A_94 : vector<1024x400xf32>
    %jit3A_96 = arith.constant 0xFF800000 : f32
    %broadcast_in_dim3A_97 = vector.broadcast %jit3A_96 : f32 to vector<1024x400xf32>
    %select_n3A_98 = arith.select %eq3A_95, %get3A_4, %broadcast_in_dim3A_97 : vector<1024x400xi1>, vector<1024x400xf32>
    %reduce_max3A_99 = arith.constant dense<0xFF800000> : vector<1024xf32>
    %reduce_max3A_100 = vector.multi_reduction <maximumf>, %select_n3A_98, %reduce_max3A_99 [1] : vector<1024x400xf32> to vector<1024xf32>
    %broadcast_in_dim3A_101 = vector.shape_cast %reduce_max3A_100 : vector<1024xf32> to vector<1024x1xf32>
    %eq3A_102 = vector.broadcast %broadcast_in_dim3A_101 : vector<1024x1xf32> to vector<1024x400xf32>
    %eq3A_103 = arith.cmpf oeq, %get3A_4, %eq3A_102 : vector<1024x400xf32>
    %jit3A_104 = arith.constant 0xFF800000 : f32
    %broadcast_in_dim3A_105 = vector.broadcast %jit3A_104 : f32 to vector<1024x400xf32>
    %select_n3A_106 = arith.select %eq3A_103, %get3A_7, %broadcast_in_dim3A_105 : vector<1024x400xi1>, vector<1024x400xf32>
    %reduce_max3A_107 = arith.constant dense<0xFF800000> : vector<1024xf32>
    %reduce_max3A_108 = vector.multi_reduction <maximumf>, %select_n3A_106, %reduce_max3A_107 [1] : vector<1024x400xf32> to vector<1024xf32>
    %broadcast_in_dim3A_109 = vector.shape_cast %reduce_max3A_108 : vector<1024xf32> to vector<1024x1xf32>
    %jit3A_110 = arith.constant 0xFF800000 : f32
    %broadcast_in_dim3A_111 = vector.broadcast %jit3A_110 : f32 to vector<1024x400xf32>
    %select_n3A_112 = arith.select %eq3A_103, %broadcast_in_dim3A_111, %select_n3A_90 : vector<1024x400xi1>, vector<1024x400xf32>
    %reduce_max3A_113 = arith.constant dense<0xFF800000> : vector<1024xf32>
    %reduce_max3A_114 = vector.multi_reduction <maximumf>, %select_n3A_112, %reduce_max3A_113 [1] : vector<1024x400xf32> to vector<1024xf32>
    %broadcast_in_dim3A_115 = vector.shape_cast %reduce_max3A_114 : vector<1024xf32> to vector<1024x1xf32>
    %eq3A_116 = vector.broadcast %broadcast_in_dim3A_115 : vector<1024x1xf32> to vector<1024x400xf32>
    %eq3A_117 = arith.cmpf oeq, %select_n3A_112, %eq3A_116 : vector<1024x400xf32>
    %jit3A_118 = arith.constant 0xFF800000 : f32
    %broadcast_in_dim3A_119 = vector.broadcast %jit3A_118 : f32 to vector<1024x400xf32>
    %select_n3A_120 = arith.select %eq3A_117, %get3A_4, %broadcast_in_dim3A_119 : vector<1024x400xi1>, vector<1024x400xf32>
    %reduce_max3A_121 = arith.constant dense<0xFF800000> : vector<1024xf32>
    %reduce_max3A_122 = vector.multi_reduction <maximumf>, %select_n3A_120, %reduce_max3A_121 [1] : vector<1024x400xf32> to vector<1024xf32>
    %broadcast_in_dim3A_123 = vector.shape_cast %reduce_max3A_122 : vector<1024xf32> to vector<1024x1xf32>
    %eq3A_124 = vector.broadcast %broadcast_in_dim3A_123 : vector<1024x1xf32> to vector<1024x400xf32>
    %eq3A_125 = arith.cmpf oeq, %get3A_4, %eq3A_124 : vector<1024x400xf32>
    %jit3A_126 = arith.constant 0xFF800000 : f32
    %broadcast_in_dim3A_127 = vector.broadcast %jit3A_126 : f32 to vector<1024x400xf32>
    %select_n3A_128 = arith.select %eq3A_125, %get3A_7, %broadcast_in_dim3A_127 : vector<1024x400xi1>, vector<1024x400xf32>
    %reduce_max3A_129 = arith.constant dense<0xFF800000> : vector<1024xf32>
    %reduce_max3A_130 = vector.multi_reduction <maximumf>, %select_n3A_128, %reduce_max3A_129 [1] : vector<1024x400xf32> to vector<1024xf32>
    %broadcast_in_dim3A_131 = vector.shape_cast %reduce_max3A_130 : vector<1024xf32> to vector<1024x1xf32>
    %jit3A_132 = arith.constant 0xFF800000 : f32
    %broadcast_in_dim3A_133 = vector.broadcast %jit3A_132 : f32 to vector<1024x400xf32>
    %select_n3A_134 = arith.select %eq3A_125, %broadcast_in_dim3A_133, %select_n3A_112 : vector<1024x400xi1>, vector<1024x400xf32>
    %reduce_max3A_135 = arith.constant dense<0xFF800000> : vector<1024xf32>
    %reduce_max3A_136 = vector.multi_reduction <maximumf>, %select_n3A_134, %reduce_max3A_135 [1] : vector<1024x400xf32> to vector<1024xf32>
    %broadcast_in_dim3A_137 = vector.shape_cast %reduce_max3A_136 : vector<1024xf32> to vector<1024x1xf32>
    %eq3A_138 = vector.broadcast %broadcast_in_dim3A_137 : vector<1024x1xf32> to vector<1024x400xf32>
    %eq3A_139 = arith.cmpf oeq, %select_n3A_134, %eq3A_138 : vector<1024x400xf32>
    %jit3A_140 = arith.constant 0xFF800000 : f32
    %broadcast_in_dim3A_141 = vector.broadcast %jit3A_140 : f32 to vector<1024x400xf32>
    %select_n3A_142 = arith.select %eq3A_139, %get3A_4, %broadcast_in_dim3A_141 : vector<1024x400xi1>, vector<1024x400xf32>
    %reduce_max3A_143 = arith.constant dense<0xFF800000> : vector<1024xf32>
    %reduce_max3A_144 = vector.multi_reduction <maximumf>, %select_n3A_142, %reduce_max3A_143 [1] : vector<1024x400xf32> to vector<1024xf32>
    %broadcast_in_dim3A_145 = vector.shape_cast %reduce_max3A_144 : vector<1024xf32> to vector<1024x1xf32>
    %eq3A_146 = vector.broadcast %broadcast_in_dim3A_145 : vector<1024x1xf32> to vector<1024x400xf32>
    %eq3A_147 = arith.cmpf oeq, %get3A_4, %eq3A_146 : vector<1024x400xf32>
    %jit3A_148 = arith.constant 0xFF800000 : f32
    %broadcast_in_dim3A_149 = vector.broadcast %jit3A_148 : f32 to vector<1024x400xf32>
    %select_n3A_150 = arith.select %eq3A_147, %get3A_7, %broadcast_in_dim3A_149 : vector<1024x400xi1>, vector<1024x400xf32>
    %reduce_max3A_151 = arith.constant dense<0xFF800000> : vector<1024xf32>
    %reduce_max3A_152 = vector.multi_reduction <maximumf>, %select_n3A_150, %reduce_max3A_151 [1] : vector<1024x400xf32> to vector<1024xf32>
    %broadcast_in_dim3A_153 = vector.shape_cast %reduce_max3A_152 : vector<1024xf32> to vector<1024x1xf32>
    %jit3A_154 = arith.constant 0xFF800000 : f32
    %broadcast_in_dim3A_155 = vector.broadcast %jit3A_154 : f32 to vector<1024x400xf32>
    %select_n3A_156 = arith.select %eq3A_147, %broadcast_in_dim3A_155, %select_n3A_134 : vector<1024x400xi1>, vector<1024x400xf32>
    %reduce_max3A_157 = arith.constant dense<0xFF800000> : vector<1024xf32>
    %reduce_max3A_158 = vector.multi_reduction <maximumf>, %select_n3A_156, %reduce_max3A_157 [1] : vector<1024x400xf32> to vector<1024xf32>
    %broadcast_in_dim3A_159 = vector.shape_cast %reduce_max3A_158 : vector<1024xf32> to vector<1024x1xf32>
    %eq3A_160 = vector.broadcast %broadcast_in_dim3A_159 : vector<1024x1xf32> to vector<1024x400xf32>
    %eq3A_161 = arith.cmpf oeq, %select_n3A_156, %eq3A_160 : vector<1024x400xf32>
    %jit3A_162 = arith.constant 0xFF800000 : f32
    %broadcast_in_dim3A_163 = vector.broadcast %jit3A_162 : f32 to vector<1024x400xf32>
    %select_n3A_164 = arith.select %eq3A_161, %get3A_4, %broadcast_in_dim3A_163 : vector<1024x400xi1>, vector<1024x400xf32>
    %reduce_max3A_165 = arith.constant dense<0xFF800000> : vector<1024xf32>
    %reduce_max3A_166 = vector.multi_reduction <maximumf>, %select_n3A_164, %reduce_max3A_165 [1] : vector<1024x400xf32> to vector<1024xf32>
    %broadcast_in_dim3A_167 = vector.shape_cast %reduce_max3A_166 : vector<1024xf32> to vector<1024x1xf32>
    %eq3A_168 = vector.broadcast %broadcast_in_dim3A_167 : vector<1024x1xf32> to vector<1024x400xf32>
    %eq3A_169 = arith.cmpf oeq, %get3A_4, %eq3A_168 : vector<1024x400xf32>
    %jit3A_170 = arith.constant 0xFF800000 : f32
    %broadcast_in_dim3A_171 = vector.broadcast %jit3A_170 : f32 to vector<1024x400xf32>
    %select_n3A_172 = arith.select %eq3A_169, %get3A_7, %broadcast_in_dim3A_171 : vector<1024x400xi1>, vector<1024x400xf32>
    %reduce_max3A_173 = arith.constant dense<0xFF800000> : vector<1024xf32>
    %reduce_max3A_174 = vector.multi_reduction <maximumf>, %select_n3A_172, %reduce_max3A_173 [1] : vector<1024x400xf32> to vector<1024xf32>
    %broadcast_in_dim3A_175 = vector.shape_cast %reduce_max3A_174 : vector<1024xf32> to vector<1024x1xf32>
    %concatenate3A = tpu.concatenate %broadcast_in_dim3A, %broadcast_in_dim3A_27, %broadcast_in_dim3A_49, %broadcast_in_dim3A_71, %broadcast_in_dim3A_93, %broadcast_in_dim3A_115, %broadcast_in_dim3A_137, %broadcast_in_dim3A_159 in 1 : vector<1024x1xf32>, vector<1024x1xf32>, vector<1024x1xf32>, vector<1024x1xf32>, vector<1024x1xf32>, vector<1024x1xf32>, vector<1024x1xf32>, vector<1024x1xf32> -> vector<1024x8xf32>
    %concatenate3A_176 = tpu.concatenate %broadcast_in_dim3A_13, %broadcast_in_dim3A_35, %broadcast_in_dim3A_57, %broadcast_in_dim3A_79, %broadcast_in_dim3A_101, %broadcast_in_dim3A_123, %broadcast_in_dim3A_145, %broadcast_in_dim3A_167 in 1 : vector<1024x1xf32>, vector<1024x1xf32>, vector<1024x1xf32>, vector<1024x1xf32>, vector<1024x1xf32>, vector<1024x1xf32>, vector<1024x1xf32>, vector<1024x1xf32> -> vector<1024x8xf32>
    %concatenate3A_177 = tpu.concatenate %broadcast_in_dim3A_21, %broadcast_in_dim3A_43, %broadcast_in_dim3A_65, %broadcast_in_dim3A_87, %broadcast_in_dim3A_109, %broadcast_in_dim3A_131, %broadcast_in_dim3A_153, %broadcast_in_dim3A_175 in 1 : vector<1024x1xf32>, vector<1024x1xf32>, vector<1024x1xf32>, vector<1024x1xf32>, vector<1024x1xf32>, vector<1024x1xf32>, vector<1024x1xf32>, vector<1024x1xf32> -> vector<1024x8xf32>
    %swap3A = arith.constant 0 : index
    %swap3A_178 = arith.constant 0 : index
    %swap3A_179 = vector.load %arg3[%swap3A, %swap3A_178] : memref<1024x8xf32, #tpu.memory_space<vmem>>, vector<1024x8xf32>
    tpu.vector_store %arg3[%swap3A, %swap3A_178], %concatenate3A {strides = array<i32>} : memref<1024x8xf32, #tpu.memory_space<vmem>>, vector<1024x8xf32>,
    %neg3A = arith.constant 0.000000e+00 : f32
    %neg3A_180 = vector.broadcast %neg3A : f32 to vector<1024x8xf32>
    %neg3A_181 = arith.subf %neg3A_180, %concatenate3A_176 : vector<1024x8xf32>
    %convert_element_type3A = arith.fptosi %neg3A_181 : vector<1024x8xf32> to vector<1024x8xi32>
    %swap3A_182 = arith.constant 0 : index
    %swap3A_183 = arith.constant 0 : index
    %swap3A_184 = vector.load %arg4[%swap3A_182, %swap3A_183] : memref<1024x8xi32, #tpu.memory_space<vmem>>, vector<1024x8xi32>
    tpu.vector_store %arg4[%swap3A_182, %swap3A_183], %convert_element_type3A {strides = array<i32>} : memref<1024x8xi32, #tpu.memory_space<vmem>>, vector<1024x8xi32>,
    %swap3A_185 = arith.constant 0 : index
    %swap3A_186 = arith.constant 0 : index
    %swap3A_187 = vector.load %arg5[%swap3A_185, %swap3A_186] : memref<1024x8xf32, #tpu.memory_space<vmem>>, vector<1024x8xf32>
    tpu.vector_store %arg5[%swap3A_185, %swap3A_186], %concatenate3A_177 {strides = array<i32>} : memref<1024x8xf32, #tpu.memory_space<vmem>>, vector<1024x8xf32>,
    return
  }
}

</mosaic_0001>

<sc_bundles>
// kernel: kernel.5.cloned.1.call-start
scs
__scs_entry_jumppad:
0x0: {  	(pc) =	sbr.rel $0x88, $3  }
0x1: {  	(tag) =	ssettag $0x0;
	lr =	simm.s32 $0x1  }
0x2: {  	[smem:$0x3F99] =	sst lr;
	_ =	strace $0xD0000000  }
0x3: {  	_ = 	snop  }
0x4: {  	_ = 	snop  }
0x5: {  	_ = 	snop  }
0x6: {  	_ = 	snop  }
0x7: {  	_ = 	snop  }
__scs_overlays_trampoline_lowered:
0x8: {  	[smem:$0x3FA8] =	sst s0  }
0x9: {  	[smem:$0x3FA9] =	sst s1  }
0xa: {  	[smem:$0x3FAA] =	sst s2  }
0xb: {  	[smem:$0x3FAB] =	sst s3  }
0xc: {  	[smem:$0x3FAC] =	sst s4  }
0xd: {  	[smem:$0x3FAD] =	sst s5  }
0xe: {  	[smem:$0x3FAE] =	sst s6  }
0xf: {  	[smem:$0x3FAF] =	sst s7  }
0x10: {  	[smem:$0x3FB0] =	sst s8  }
0x11: {  	[smem:$0x3FB1] =	sst s9;
	s0 =	simm.s32 @!p0 $0x0  }
0x12: {  	s1 =	sld [smem:$0x3F97];
	s0 =	simm.s32 @p0 $0x1  }
0x13: {  	[smem:$0x3FB2] =	sst s0;
	s0 =	simm.s32 @!p1 $0x0  }
0x14: {  	s2 =	sld [smem:$0x3F96];
	s0 =	simm.s32 @p1 $0x1  }
0x15: {  	[smem:$0x3FB3] =	sst s0;
	s0 =	simm.s32 @!p2 $0x0  }
0x16: {  	s3 =	sld [smem:$0x3FDB];
	s0 =	simm.s32 @p2 $0x1  }
0x17: {  	s4 =	simm.s32 $0x1BF5;
	[smem:$0x3FB5] =	sst s0  }
0x18: {  	s0 =	sld [smem:$0x3F98];
	_ =	swait.ge [sflag:s4], $0x0  }
0x19: {  	s7 =	sld [smem:$0x3F99]  }
0x1a: {  	s8 =	sadd.s32 $0xFFFFE003, lr  }
0x1b: {  	s9 =	sadd.s32 $0xFFFFFEF7, lr;
	s5 =	simm.s32 $0xFFFFFFFF;
	p2 =	slt.u32 s8, $0xFFFFF086  }
0x1c: {  	p1 =	slt.u32 s9, $0xF7A;
	s5 =	simm.s32 @!p2 $0x0  }
0x1d: {  	s5 =	simm.s32 @p1 $0x1;
	p0 =	seq.s32 s7, s2  }
0x1e: {  	s7 =	smul.u32 @!p0 $0xF7A, s2;
	p2 =	seq.s32 @!p0 s5, $0x0  }
0x1f: {  	s9 =	smul.u32 $0xF7A, s1;
	s8 =	simm.s32 @!p0 $0x1BF5;
	p2 =	por !p2, p0  }
0x20: {  	[sflag:s8] =	ssyncset.s32 @!p0 $0xFFFFF086;
	s6 =	sadd.s32 @!p0 s3, s7;
	s7 =	simm.s32 @!p0 $0x108  }
0x21: {  	s3 =	sadd.s32 s3, s9;
	s6 =	sadd.s32 @!p0 $0x88, s6;
	s7 =	simm.s32 @p2 $0x1082  }
0x22: {  	[simem:s7], [sflag:s8] =	dma.local @!p0 [hbm:s6], $0xF7A  }
0x23: {  	s9 =	sor.u32 $0xD0000000, s2;
	s6 =	simm.s32 $0x108;
	_ =	swait.ge @!p0 [sflag:s8], $0x0  }
0x24: {  	s3 =	sadd.s32 $0x88, s3;
	s6 =	simm.s32 @!p1 $0x1082;
	[sflag:s4] =	ssyncset.s32 $0xFFFFF086  }
0x25: {  	[simem:s6], [sflag:s4] =	dma.local [hbm:s3], $0xF7A  }
0x26: {  	[smem:$0x3F99] =	sst s1;
	(tag) =	ssettag s2;
	_ =	strace s9  }
0x27: {  	s1 =	sld [smem:$0x3FA9]  }
0x28: {  	s2 =	sld [smem:$0x3FAA]  }
0x29: {  	s4 =	sld [smem:$0x3FAC]  }
0x2a: {  	p0 =	seq.s32 s5, $0x0;
	s5 =	sld [smem:$0x3FAD]  }
0x2b: {  	s6 =	sld [smem:$0x3FAE]  }
0x2c: {  	s7 =	sld [smem:$0x3FAF]  }
0x2d: {  	s3 =	simm.s32 $0x108;
	s8 =	sld [smem:$0x3FB0]  }
0x2e: {  	s3 =	simm.s32 @!p0 $0x1082;
	s9 =	sld [smem:$0x3FB1]  }
0x2f: {  	lr =	sadd.s32 s0, s3;
	s0 =	sld [smem:$0x3FA8]  }
0x30: {  	s3 =	sld [smem:$0x3FAB]  }
0x31: {  	[smem:$0x3FB4] =	sst s10  }
0x32: {  	s10 =	sld [smem:$0x3FB2];
	_ =	sdelay $0x3  }
0x33: {  	p0 =	seq.s32 s10, $0x1;
	s10 =	sld [smem:$0x3FB4];
	_ =	sdelay $0x3  }
0x34: {  	[smem:$0x3FB4] =	sst s10  }
0x35: {  	s10 =	sld [smem:$0x3FB3];
	_ =	sdelay $0x3  }
0x36: {  	p1 =	seq.s32 s10, $0x1;
	s10 =	sld [smem:$0x3FB4];
	_ =	sdelay $0x3  }
0x37: {  	[smem:$0x3FB4] =	sst s10  }
0x38: {  	s10 =	sld [smem:$0x3FB5]  }
0x39: {  	_ = 	snop;
	(pc) =	sbr.ind lr, $3  }
0x3a: {  	_ = 	snop  }
0x3b: {  	_ = 	snop  }
0x3c: {  	p2 =	seq.s32 s10, $0x1;
	s10 =	sld [smem:$0x3FB4]  }
0x3d: {  	_ =	shalt  }
0x3e: {  	_ =	shalt  }
0x3f: {  	_ =	shalt  }
0x40: {  	_ =	shalt  }
0x41: {  	_ =	shalt  }
0x42: {  	_ =	shalt  }
0x43: {  	_ =	shalt  }
0x44: {  	_ =	shalt  }
0x45: {  	_ =	shalt  }
0x46: {  	_ =	shalt  }
0x47: {  	_ =	shalt  }
0x48: {  	_ =	shalt  }
0x49: {  	_ =	shalt  }
0x4a: {  	_ =	shalt  }
0x4b: {  	_ =	shalt  }
0x4c: {  	_ =	shalt  }
0x4d: {  	_ =	shalt  }
0x4e: {  	_ =	shalt  }
0x4f: {  	_ =	shalt  }
0x50: {  	_ =	shalt  }
0x51: {  	_ =	shalt  }
0x52: {  	_ =	shalt  }
0x53: {  	_ =	shalt  }
0x54: {  	_ =	shalt  }
0x55: {  	_ =	shalt  }
0x56: {  	_ =	shalt  }
0x57: {  	_ =	shalt  }
0x58: {  	_ =	shalt  }
0x59: {  	_ =	shalt  }
0x5a: {  	_ =	shalt  }
0x5b: {  	_ =	shalt  }
0x5c: {  	_ =	shalt  }
0x5d: {  	_ =	shalt  }
0x5e: {  	_ =	shalt  }
0x5f: {  	_ =	shalt  }
0x60: {  	_ =	shalt  }
0x61: {  	_ =	shalt  }
0x62: {  	_ =	shalt  }
0x63: {  	_ =	shalt  }
0x64: {  	_ =	shalt  }
0x65: {  	_ =	shalt  }
0x66: {  	_ =	shalt  }
0x67: {  	_ =	shalt  }
0x68: {  	_ =	shalt  }
0x69: {  	_ =	shalt  }
0x6a: {  	_ =	shalt  }
0x6b: {  	_ =	shalt  }
0x6c: {  	_ =	shalt  }
0x6d: {  	_ =	shalt  }
0x6e: {  	_ =	shalt  }
0x6f: {  	_ =	shalt  }
0x70: {  	_ =	shalt  }
0x71: {  	_ =	shalt  }
0x72: {  	_ =	shalt  }
0x73: {  	_ =	shalt  }
0x74: {  	_ =	shalt  }
0x75: {  	_ =	shalt  }
0x76: {  	_ =	shalt  }
0x77: {  	_ =	shalt  }
0x78: {  	_ =	shalt  }
0x79: {  	_ =	shalt  }
0x7a: {  	_ =	shalt  }
0x7b: {  	_ =	shalt  }
0x7c: {  	_ =	shalt  }
0x7d: {  	_ =	shalt  }
0x7e: {  	_ =	shalt  }
0x7f: {  	_ =	shalt  }
0x80: {  	_ =	shalt  }
0x81: {  	_ =	shalt  }
0x82: {  	_ =	shalt  }
0x83: {  	_ =	shalt  }
0x84: {  	_ =	shalt  }
0x85: {  	_ =	shalt  }
0x86: {  	_ =	shalt  }
0x87: {  	_ =	shalt  }
.Lfunc_end0:
.L_simem_size_0:
called_computation_lowered:
.L_overlay_start_0:
0x88: {  	s2 =	sld [smem:$0x3FD9]  }
0x89: {  	s3 =	sld [smem:$0x3FFE];
	_ =	sdelay $0x1  }
0x8a: {  	s1 =	srdreg.scid  }
0x8b: {  	s0 =	sand.u32 $0x1, s1  }
0x8c: {  	s14 =	sshll.u32 s0, $0xA;
	s2 =	sadd.s32 s3, s2  }
0x8d: {  	s2 =	sadd.s32 s2, s14  }
0x8e: {  	[smem:$0x3FC0] =	sst s2  }
0x8f: {  	_ = 	snop  }
0x90: {  	s2 =	sld [smem:$0x3FD0];
	_ =	sdelay $0x2  }
0x91: {  	s4 =	simm.s32 $0xA;
	s5 =	simm.s32 $0x10;
	s15 =	sld [smem:$0x3FC8]  }
0x92: {  	[smem:s5], [sflag:s4] =	dma.local [hbm:s2], $0x1  }
0x93: {  	_ =	swait.eq [sflag:s4], $0x1  }
0x94: {  	[sflag:s4] =	ssyncset.done $0x0  }
0x95: {  	[sflag:s4] =	ssyncadd.s32 $0xFFFFFFFF  }
0x96: {  	s16 =	sld [smem:$0x10];
	(tm) =	ssettm $0x1  }
0x97: {  	s17 =	sld [smem:$0x3FFB];
	_ =	sdelay $0x3  }
0x98: {  	_ =	strace s17  }
0x99: {  	s4 =	sld [smem:$0x3FFC];
	_ =	sdelay $0x3  }
0x9a: {  	_ =	strace s4  }
0x9b: {  	s4 =	sld [smem:$0x3FFD];
	_ =	sdelay $0x3  }
0x9c: {  	_ =	strace s4  }
0x9d: {  	_ =	strace $0x8FFFFFFF  }
0x9e: {  	s18 =	sld [smem:$0x3FDB];
	_ =	sdelay $0x1  }
0x9f: {  	s19 =	simm.s32 $_scs_section_size  }
0xa0: {  	s6 =	simm.s32 $_size__tile_overlayer_lowered;
	s7 =	simm.s32 $_tile_overlayer_lowered  }
0xa1: {  	s22 =	simm.s32 $0x1BFF;
	s21 =	sshll.u32 s7, $0x1;
	s4 =	sadd.s32 s19, s18  }
0xa2: {  	s8 =	simm.s32 $0x0;
	s20 =	sshll.u32 s6, $0x1;
	s6 =	sadd.s32 s21, s4  }
0xa3: {  	[timem:s8], [sflag:s22] =	dma.local [hbm:s6], s20  }
0xa4: {  	_ =	swait.ge [sflag:s22], s20  }
0xa5: {  	s5 =	ssub.s32 $0x0, s20;
	[sflag:s22] =	ssyncset.done $0x0  }
0xa6: {  	[sflag:s22] =	ssyncadd.s32 s5;
	_ =	sdelay $0x1  }
0xa7: {  	s23 =	simm.s32 $0x1B8B  }
0xa8: {  	_ =	swait.ge [sflag:s23], $0x1  }
0xa9: {  	[sflag:s23] =	ssyncset.done $0x0  }
0xaa: {  	s25 =	simm.s32 $0x1B8E;
	s24 =	sld [smem:$0x3FFE];
	[sflag:s23] =	ssyncadd.s32 $0xFFFFFFFF  }
0xab: {  	s26 =	simm.s32 $execute0_lowered;
	[smem:$0x3FD2] =	sst s25  }
0xac: {  	s6 =	sshll.u32 s26, $0x1;
	_ =	strace $0x80000046;
	[dreg:$0x1] =	wrdreg $0xFFFFFFFF  }
0xad: {  	s28 =	simm.s32 $_size_execute0_lowered;
	s4 =	sadd.s32 s4, s6;
	[dreg:$0x0] =	wrdreg $0x0  }
0xae: {  	s6 =	sshll.u32 s28, $0x1;
	[dreg:$0x2] =	wrdreg s4  }
0xaf: {  	[dreg:$0x3] =	wrdreg s6  }
0xb0: {  	[dreg:$0x4] =	wrdreg $0xC0  }
0xb1: {  	_ =	task [dreg:s8], $0x5FFFF  }
0xb2: {  	[dreg:$0x1] =	wrdreg $0xFFFFFFFF  }
0xb3: {  	[dreg:$0x0] =	wrdreg $0x60  }
0xb4: {  	[dreg:$0x2] =	wrdreg s15  }
0xb5: {  	[dreg:$0x3] =	wrdreg s24  }
0xb6: {  	[dreg:$0x4] =	wrdreg s16  }
0xb7: {  	[dreg:$0x5] =	wrdreg $0x9  }
0xb8: {  	_ =	task.clear_ibuf [dreg:s8], $0x6FFFF;
	_ =	strace $0x90000046  }
0xb9: {  	s29 =	simm.s32 $0x9;
	_ =	strace $0x80000048  }
0xba: {  	_ =	swait.ge [sflag:s29], $0x1  }
0xbb: {  	[sflag:s29] =	ssyncadd.s32 $0xFFFFFFFF  }
0xbc: {  	_ =	strace $0x90000048  }
0xbd: {  	_ =	sfence  }
0xbe: {  	s30 =	sld [smem:$0x0];
	_ =	sdelay $0x2  }
0xbf: {  	s31 =	sshll.u32 s1, $0xD;
	s1 =	sshrl.u32 s1, $0x2  }
0xc0: {  	s3 =	sand.u32 $0x4000, s31;
	s1 =	sadd.s32 s1, s30  }
0xc1: {  	s0 =	sor.u32 s3, s0;
	s1 =	sshll.u32 s1, $0x11  }
0xc2: {  	s0 =	sor.u32 s1, s0  }
0xc3: {  	s0 =	sadd.s32 $0x8F2B, s0  }
0xc4: {  	[sflag:s0] =	ssyncadd.remote.s32 $0x1  }
0xc5: {  	_ =	sfence.sel $0xFFFF  }
0xc6: {  	[dreg:$0x0] =	wrdreg $0xFFFFFFFF;
	(pc) =	sbr.abs _section_cstart, $3  }
0xc7: {  	[dreg:$0x1] =	wrdreg $0xFFFFFFFF  }
0xc8: {  	_ =	task.clear_ibuf [dreg:s8], $0x2FFFF;
	_ =	strace $0x9FFFFFFF  }
0xc9: {  	(tm) =	ssettm $0x7FFFFFFF  }
tec
execute0_lowered:
.L_overlay_start_1:
0x0: {  	(tag) =	ssettag $0x1  }
0x1: {  	s1 =	rddreg [dreg:$0x0]  }
0x2: {  	s4 =	rddreg [dreg:$0x1]  }
0x3: {  	s5 =	rddreg [dreg:$0x2]  }
0x4: {  	s0 =	rddreg [dreg:$0x3];
	s6 =	srdreg.scid  }
0x5: {  	s3 =	simm.s32 $0x0;
	s2 =	stileid.u32;
	s11 =	simm.s32 $0x0  }
0x6: {  	s6 =	sand.u32 $0x1, s6;
	[smem:$0x7FF] =	sst s3;
	s7 =	sshll.u32 s2, $0x9  }
0x7: {  	s10 =	sshll.u32 s2, $0x11;
	s8 =	sshll.u32 s6, $0x8;
	_ =	strace $0x80000047  }
0x8: {  	s31 =	ssub.s32 $0x2, s6;
	s5 =	sadd.s32 s10, s5;
	s6 =	sshll.u32 s6, $0x10  }
0x9: {  	s10 =	simm.s32 $0x1;
	s7 =	sor.u32 s8, s7;
	s9 =	sshrl.u32 s31, $0x1  }
0xa: {  	s5 =	sadd.s32 s6, s5;
	s7 =	sshrl.u32 s7, $0x3;
	s8 =	ssub.s32 s31, s9  }
0xb: {  	s9 =	simm.s32 $0x80;
	s7 =	sadd.s32 s7, s4;
	s4 =	smax.u32 s8, $0x1  }
0xc: {  	s8 =	simm.s32 $0x20;
	s6 =	sadd.s32 $0xB200, s7;
	s7 =	simm.s32 $0x2  }
.LBB2_1:
0xd: {  	s12 =	sadd.s32 $0x0, s6  }
0xe: {  	[tilespmem:s3], [sflag:$0x2] =	stream.linear.gather [hbm4b:s12+s3], $0x20, $0x38;
	[tilespmem:$0x10080] =	vst v63  }
0xf: {  	_ =	swait.ge [sflag:s7], $0x20  }
0x10: {  	[sflag:s7] =	ssyncset.done $0x0  }
0x11: {  	[sflag:s7] =	ssyncadd.s32 $0xFFFFFFE0  }
0x12: {  	[tilespmem:s9], [sflag:$0x1] =	stream.indirect.gather [hbm4b:s1+s8], $0x800, s3, s8, $0xb8;
	[tilespmem:$0x10080] =	vst v63  }
0x13: {  	_ =	swait.ge [sflag:s10], $0x10000  }
0x14: {  	[sflag:s10] =	ssyncset.done $0x0  }
0x15: {  	[sflag:s10] =	ssyncadd.s32 $0xFFFF0000  }
0x16: {  	[hbm4b:s5+s3] =	stream.linear.scatter [tilespmem:s9], [sflag:$0x2], $0x10000, $0x38;
	[tilespmem:$0x10080] =	vst v63  }
0x17: {  	s13 =	simm.s32 $0x4;
	_ =	swait.ge [sflag:s7], $0x10000  }
0x18: {  	s14 =	simm.s32 $0x8;
	s12 =	sadd.s32 $0x2000, s5;
	[sflag:s7] =	ssyncset.done $0x0  }
.LBB2_2:
0x19: {  	s15 =	sadd.s32 s13, s6  }
0x1a: {  	[sflag:s7] =	ssyncadd.s32 $0xFFFF0000;
	s13 =	smov.u32 s14;
	s16 =	sadd.s32 $0x4, s14  }
0x1b: {  	[tilespmem:s3], [sflag:$0x2] =	stream.linear.gather [hbm4b:s15+s3], $0x20, $0x38;
	[tilespmem:$0x10080] =	vst v63  }
0x1c: {  	p0 =	sne.s32 s14, $0x1C;
	_ =	swait.ge [sflag:s7], $0x20  }
0x1d: {  	[sflag:s7] =	ssyncset.done $0x0  }
0x1e: {  	[sflag:s7] =	ssyncadd.s32 $0xFFFFFFE0  }
0x1f: {  	[tilespmem:s9], [sflag:$0x1] =	stream.indirect.gather [hbm4b:s1+s8], $0x800, s3, s8, $0xb8;
	[tilespmem:$0x10080] =	vst v63  }
0x20: {  	_ =	swait.ge [sflag:s10], $0x10000  }
.Ltmp0:
0x21: {  	[sflag:s10] =	ssyncset.done $0x0;
	(pc) =	sbr.rel @p0 .LBB2_2-.Ltmp0, $4  }
0x22: {  	[sflag:s10] =	ssyncadd.s32 $0xFFFF0000  }
0x23: {  	[hbm4b:s12+s3] =	stream.linear.scatter [tilespmem:s9], [sflag:$0x2], $0x10000, $0x38;
	[tilespmem:$0x10080] =	vst v63  }
0x24: {  	_ =	swait.ge [sflag:s7], $0x10000  }
0x25: {  	s14 =	smov.u32 s16;
	s12 =	sadd.s32 $0x2000, s12;
	[sflag:s7] =	ssyncset.done $0x0  }
0x26: {  	s13 =	sadd.s32 s13, s6;
	[sflag:s7] =	ssyncadd.s32 $0xFFFF0000  }
0x27: {  	[tilespmem:s3], [sflag:$0x2] =	stream.linear.gather [hbm4b:s13+s3], $0x20, $0x38;
	[tilespmem:$0x10080] =	vst v63  }
0x28: {  	_ =	swait.ge [sflag:s7], $0x20  }
0x29: {  	[sflag:s7] =	ssyncset.done $0x0  }
0x2a: {  	[sflag:s7] =	ssyncadd.s32 $0xFFFFFFE0  }
0x2b: {  	[tilespmem:s9], [sflag:$0x1] =	stream.indirect.gather [hbm4b:s1+s8], $0x800, s3, s8, $0xb8;
	[tilespmem:$0x10080] =	vst v63  }
0x2c: {  	s11 =	sadd.s32 $0x1, s11;
	_ =	swait.ge [sflag:s10], $0x10000  }
0x2d: {  	p0 =	sne.s32 s11, s4;
	[sflag:s10] =	ssyncset.done $0x0  }
.Ltmp1:
0x2e: {  	[sflag:s10] =	ssyncadd.s32 $0xFFFF0000;
	(pc) =	sbr.rel @p0 .LBB2_1-.Ltmp1, $4  }
0x2f: {  	[hbm4b:s12+s3] =	stream.linear.scatter [tilespmem:s9], [sflag:$0x2], $0x10000, $0x38;
	[tilespmem:$0x10080] =	vst v63  }
0x30: {  	_ =	swait.ge [sflag:s7], $0x10000  }
0x31: {  	[sflag:s7] =	ssyncset.done $0x0  }
0x32: {  	[sflag:s7] =	ssyncadd.s32 $0xFFFF0000  }
0x33: {  	_ =	sfence.sel $0x180000  }
0x34: {  	[bflag:$0x0] =	sbarrier.arrive $0xFFFF  }
0x35: {  	p0 =	sne.s32 s2, $0x0;
	_ =	strace $0x90000047  }
0x36: {  	s0 =	sadd.s32 @!p0 $0x100000, s0;
	[bflag:$0x2] =	sbarrier.arrive $0xFFFF  }
0x37: {  	[sflag:s0] =	ssyncadd.tile.s32 @!p0 $0x1;
	_ =	shalt  }
.Lfunc_end2:
_tile_overlayer_lowered:
.L_overlay_start_2:
0x38: {  	(tag) =	ssettag $0x2  }
0x39: {  	s0 =	rddreg [dreg:$0x0];
	s2 =	stileid.u32  }
0x3a: {  	s1 =	rddreg [dreg:$0x1];
	p0 =	sne.s32 s2, $0x0  }
0x3b: {  	s3 =	rddreg [dreg:$0x2];
	[bflag:$0x3] =	sbarrier.arrive $0xFFFF;
	s2 =	simm.s32 @!p0 $0x1C02  }
0x3c: {  	[timem:s3], [sflag:s2] =	dma.local @!p0 [hbm:s0], s1  }
0x3d: {  	s0 =	simm.s32 @!p0 $0x2  }
0x3e: {  	_ =	swait.ge @!p0 [sflag:s0], s1  }
0x3f: {  	s1 =	ssub.s32 @!p0 $0x0, s1;
	[sflag:s0] =	ssyncset.done @!p0 $0x0  }
0x40: {  	[sflag:s0] =	ssyncadd.s32 @!p0 s1  }
0x41: {  	[bflag:$0x3] =	sbarrier.arrive $0xFFFF  }
0x42: {  	_ =	shalt  }

</sc_bundles>
